<compile_context>
chip_gen: v7x
topology: tpu7x:2x2x1
jax: 0.10.2.dev20260603
libtpu: 0.0.44.dev20260713+nightly
codegen_flags: <defaults>
</compile_context>

<pallas_src>
import functools

import jax
import jax.numpy as jnp
from jax import lax
from jax.experimental import pallas as pl
from jax.experimental.pallas import tpu as pltpu
from jax.experimental.pallas import tpu_sc as plsc

NC = 2
NS = 16
NW = NC * NS
LANES = 16
NPAD = 10240
RPT = NPAD // NS
K = 128

_MESH = plsc.VectorSubcoreMesh(core_axis_name="c", subcore_axis_name="s")
_PARAMS = pltpu.CompilerParams(use_tc_tiling_on_sc=False)


def _fill1(ref, val, n):
    def body(i, carry):
        ref[pl.ds(i * LANES, LANES)] = jnp.full((LANES,), val, ref.dtype)
        return carry
    lax.fori_loop(0, n // LANES, body, 0)


def _make_deg_kernel(nch):
    @functools.partial(
        pl.kernel,
        out_type=jax.ShapeDtypeStruct((NC, NPAD), jnp.float32),
        mesh=_MESH,
        scratch_types=[
            pltpu.VMEM((nch, K), jnp.int32),
            pltpu.VMEM((K,), jnp.float32),
            pltpu.VMEM((RPT,), jnp.float32),
            pltpu.VMEM_SHARED((NPAD,), jnp.float32),
        ],
        compiler_params=_PARAMS,
    )
    def deg_kernel(dst_hbm, out_hbm, idx_v, ones_v, zero_v, acc):
        cid = lax.axis_index("c")
        sid = lax.axis_index("s")
        wid = cid * NS + sid
        pltpu.sync_copy(dst_hbm.at[wid], idx_v)
        _fill1(ones_v, 1.0, K)
        _fill1(zero_v, 0.0, RPT)
        pltpu.sync_copy(zero_v, acc.at[pl.ds(sid * RPT, RPT)])
        plsc.subcore_barrier()

        def chunk(i, carry):
            pltpu.sync_copy(ones_v, acc.at[idx_v.at[i]], add=True)
            return carry

        lax.fori_loop(0, nch, chunk, 0)
        plsc.subcore_barrier()
        pltpu.sync_copy(acc.at[pl.ds(sid * RPT, RPT)],
                        out_hbm.at[cid, pl.ds(sid * RPT, RPT)])

    return deg_kernel


def _make_scatter_kernel(nch, width):
    @functools.partial(
        pl.kernel,
        out_type=jax.ShapeDtypeStruct((NC, NPAD, width), jnp.float32),
        mesh=_MESH,
        scratch_types=[
            pltpu.VMEM((nch, K), jnp.int32),
            pltpu.VMEM((nch, K), jnp.int32),
            pltpu.VMEM((2, K, width), jnp.float32),
            pltpu.VMEM((RPT, width), jnp.float32),
            pltpu.VMEM_SHARED((NPAD, width), jnp.float32),
            pltpu.SemaphoreType.DMA,
        ],
        compiler_params=_PARAMS,
    )
    def scatter_kernel(tab_hbm, src_hbm, dst_hbm, zero_hbm, out_hbm,
                       idx_s, idx_d, rows, zv, acc, sem):
        cid = lax.axis_index("c")
        sid = lax.axis_index("s")
        wid = cid * NS + sid
        pltpu.sync_copy(src_hbm.at[wid], idx_s)
        pltpu.sync_copy(dst_hbm.at[wid], idx_d)
        pltpu.sync_copy(zero_hbm, zv)
        pltpu.sync_copy(zv, acc.at[pl.ds(sid * RPT, RPT)])
        plsc.subcore_barrier()

        pltpu.async_copy(tab_hbm.at[idx_s.at[0]], rows.at[0], sem)

        def chunk(i, carry):
            cur = lax.rem(i, 2)
            pltpu.make_async_copy(tab_hbm.at[idx_s.at[i]], rows.at[cur],
                                  sem).wait()

            @pl.when(i + 1 < nch)
            def _():
                pltpu.async_copy(tab_hbm.at[idx_s.at[i + 1]],
                                 rows.at[1 - cur], sem)

            pltpu.sync_copy(rows.at[cur], acc.at[idx_d.at[i]], add=True)
            return carry

        lax.fori_loop(0, nch, chunk, 0)
        plsc.subcore_barrier()
        pltpu.sync_copy(acc.at[pl.ds(sid * RPT, RPT)],
                        out_hbm.at[cid, pl.ds(sid * RPT, RPT)])

    return scatter_kernel


def _tc_prep_body(x_ref, v_ref, gv_ref, bv_ref, bfe_ref, W1fe_ref, W1v_ref,
                  d0_ref, d1_ref, g1_ref, dinv_ref):
    xx = x_ref[...]
    n = xx.shape[0]
    h = g1_ref.shape[1]
    mx = jnp.mean(xx, axis=0, keepdims=True)
    vx = jnp.mean((xx - mx) ** 2, axis=0, keepdims=True)
    v = v_ref[...]
    s = gv_ref[...] * v * lax.rsqrt(v * v * vx + 1e-5)
    o = bv_ref[...] - s * mx
    Kc = (jnp.dot(bfe_ref[...], W1fe_ref[...], preferred_element_type=jnp.float32)
          + jnp.dot(o, W1v_ref[...], preferred_element_type=jnp.float32))
    hw1 = jnp.dot(xx * s, W1v_ref[...], preferred_element_type=jnp.float32) + Kc
    deg = d0_ref[:n] + d1_ref[:n] + 1.0
    dinv = lax.rsqrt(deg)
    dinv_ref[...] = dinv
    g1_ref[:n, :] = hw1 * dinv
    g1_ref[n:, :] = jnp.zeros((g1_ref.shape[0] - n, h), jnp.float32)


def _tc_mid_body(a10_ref, a11_ref, g1_ref, dinv_ref, b1_ref, g2_ref):
    n = dinv_ref.shape[0]
    h = g2_ref.shape[1]
    dinv = dinv_ref[...]
    acc = a10_ref[:n] + a11_ref[:n] + g1_ref[:n]
    out1 = jnp.maximum(acc * dinv + b1_ref[...], 0.0)
    g2_ref[:n, :] = out1 * dinv
    g2_ref[n:, :] = jnp.zeros((g2_ref.shape[0] - n, h), jnp.float32)


def _tc_final_body(a20_ref, a21_ref, g2_ref, dinv_ref, W2_ref, b2_ref, out_ref):
    n, c = out_ref.shape
    hh = g2_ref.shape[1]
    pre = (a20_ref[:n, :hh] + a21_ref[:n, :hh] + g2_ref[:n, :hh]) * dinv_ref[...]
    h = jnp.dot(pre, W2_ref[...], preferred_element_type=jnp.float32) + b2_ref[...]
    m = jnp.max(h, axis=1, keepdims=True)
    lse = jnp.log(jnp.sum(jnp.exp(h - m), axis=1, keepdims=True))
    out_ref[...] = h - m - lse


def kernel(x, edge_index, feat_emb, val_emb, gamma, beta, W1, b1, W2, b2):
    N, D = x.shape
    E = edge_index.shape[1]
    FE = feat_emb.shape[1]
    CH = FE + val_emb.shape[1]
    H = W1.shape[1]
    C = W2.shape[1]

    nch = -(-E // (NW * K))
    EP = NW * K * nch
    pad = N + (jnp.arange(EP - E, dtype=jnp.int32) % (NPAD - N))
    src = jnp.concatenate([edge_index[0], pad]).reshape(NW, nch, K)
    dst = jnp.concatenate([edge_index[1], pad]).reshape(NW, nch, K)

    g5 = gamma.reshape(D, CH)
    b5 = beta.reshape(D, CH)
    W1r = W1.reshape(D, CH, H)
    gv = g5[:, FE].reshape(1, D)
    bv = b5[:, FE].reshape(1, D)
    v = val_emb[:, 0].reshape(1, D)
    W1v = W1r[:, FE, :]
    W1fe = W1r[:, :FE, :].reshape(FE * D, H)
    bfe = b5[:, :FE].reshape(1, FE * D)
    zero_h = jnp.zeros((RPT, H), jnp.float32)

    degp = _make_deg_kernel(nch)(dst)
    d0 = degp[0].reshape(NPAD, 1)
    d1 = degp[1].reshape(NPAD, 1)

    g1, dinv = pl.pallas_call(
        _tc_prep_body,
        out_shape=(jax.ShapeDtypeStruct((NPAD, H), jnp.float32),
                   jax.ShapeDtypeStruct((N, 1), jnp.float32)),
    )(x, v, gv, bv, bfe, W1fe, W1v, d0, d1)

    acc1 = _make_scatter_kernel(nch, H)(g1, src, dst, zero_h)

    g2 = pl.pallas_call(
        _tc_mid_body,
        out_shape=jax.ShapeDtypeStruct((NPAD, H), jnp.float32),
    )(acc1[0], acc1[1], g1, dinv, b1.reshape(1, H))

    acc2 = _make_scatter_kernel(nch, H)(g2, src, dst, zero_h)

    out = pl.pallas_call(
        _tc_final_body,
        out_shape=jax.ShapeDtypeStruct((N, C), jnp.float32),
    )(acc2[0], acc2[1], g2, dinv, W2, b2.reshape(1, C))
    return out

# --- scband reference (transcript-rebuilt; emitter-appended) ---
"""Pipeline reference for scband-gcn-63556926046908 (READ-ONLY COPY).

The authoritative reference and input builder live on the scoring server;
editing this copy changes nothing except your own understanding.
"""

import jax, jax.numpy as jnp
import numpy as np

N = 10000
E = 320000
D = 128
FE = 4
VE = 1
DX = D * (FE + VE)
H = 16
C = 40


def setup_inputs(seed: int = 0) -> dict:
    key = jax.random.key(seed)
    ks = jax.random.split(key, 10)
    x = jax.random.normal(ks[0], (N, D), dtype=jnp.float32)
    edge_index = jax.random.randint(ks[1], (2, E), 0, N, dtype=jnp.int32)
    feat_emb = jax.random.normal(ks[2], (D, FE), dtype=jnp.float32) * 0.1
    val_emb = jax.random.normal(ks[3], (D, VE), dtype=jnp.float32) * 0.1
    gamma = jnp.ones((DX,), dtype=jnp.float32)
    beta = jnp.zeros((DX,), dtype=jnp.float32)
    W1 = jax.random.normal(ks[4], (DX, H), dtype=jnp.float32) * 0.05
    b1 = jnp.zeros((H,), dtype=jnp.float32)
    W2 = jax.random.normal(ks[5], (H, C), dtype=jnp.float32) * 0.1
    b2 = jnp.zeros((C,), dtype=jnp.float32)
    return {"x": x, "edge_index": edge_index, "feat_emb": feat_emb, "val_emb": val_emb,
            "gamma": gamma, "beta": beta, "W1": W1, "b1": b1, "W2": W2, "b2": b2}


def _gcn_conv(h, edge_index, W, b):
    # PyG GCNConv: x @ W, add self-loops, symmetric deg^{-1/2} normalization, scatter-add, + bias
    n = h.shape[0]
    loop = jnp.arange(n, dtype=edge_index.dtype)
    src = jnp.concatenate([edge_index[0], loop])
    dst = jnp.concatenate([edge_index[1], loop])
    deg = jnp.zeros((n,), dtype=h.dtype).at[dst].add(1.0)
    dinv = jnp.where(deg > 0, deg ** -0.5, 0.0)
    norm = dinv[src] * dinv[dst]
    hw = h @ W
    msg = hw[src] * norm[:, None]
    out = jnp.zeros((n, W.shape[1]), dtype=h.dtype).at[dst].add(msg)
    return out + b


def reference(x, edge_index, feat_emb, val_emb, gamma, beta, W1, b1, W2, b2):
    n = x.shape[0]
    # embed_features(x, feature_embed_dim=4, value_embed_dim=1):
    # per scalar feature j: [feat_emb[j] (4 dims), x[:, j] * val_emb[j] (1 dim)] -> flatten to [N, 5*D]
    fe = jnp.broadcast_to(feat_emb[None, :, :], (n, D, FE))
    ve = x[:, :, None] * val_emb[None, :, :]
    h = jnp.concatenate([fe, ve], axis=-1).reshape(n, DX)
    # BatchNorm1d (training-mode batch statistics)
    mean = h.mean(axis=0)
    var = h.var(axis=0)
    h = (h - mean) / jnp.sqrt(var + 1e-5) * gamma + beta
    h = _gcn_conv(h, edge_index, W1, b1)
    h = jax.nn.relu(h)
    # dropout omitted (identity / eval mode)
    h = _gcn_conv(h, edge_index, W2, b2)
    return jax.nn.log_softmax(h, axis=1)

if __name__ == "__main__":
    import jax
    _d = setup_inputs()
    print(jax.jit(kernel)(*tuple(_d.values())))

</pallas_src>

<mosaic_0001>
#map = affine_map<(d0, d1) -> (0, 0, 0)>
#map1 = affine_map<(d0, d1) -> (0, 0)>
module attributes {stable_mosaic.version = 14 : i64} {
  func.func @deg_kernel(%arg0: i32, %arg1: i32, %arg2: memref<32x79x128xi32, #tpu.memory_space<hbm>>, %arg3: memref<2x10240xf32, #tpu.memory_space<hbm>>, %arg4: memref<79x128xi32, #tpu.memory_space<vmem>>, %arg5: memref<128xf32, #tpu.memory_space<vmem>>, %arg6: memref<640xf32, #tpu.memory_space<vmem>>, %arg7: memref<10240xf32, #tpu.memory_space<vmem_shared>>) attributes {dimension_semantics = [#tpu.dimension_semantics<core_parallel>, #tpu.dimension_semantics<subcore_parallel>], iteration_bounds = array<i64: 2, 16>, scalar_prefetch = 0 : i64, scratch_operands = 4 : i64, tpu.core_type = #tpu.core_type<sc_vector_subcore>, window_params = [{transform_indices = #map}, {transform_indices = #map1}]} {
    %mul3A = arith.constant 16 : i32
    %mul3A_0 = arith.muli %arg0, %mul3A : i32
    %add3A = arith.addi %mul3A_0, %arg1 : i32
    "tpu.region"() ({
      %run_scoped3A = tpu.sem_alloc : memref<!tpu.dma_semaphore, #tpu.memory_space<semaphore_mem>>
      %dma_start3A = arith.constant 0 : i32
      %dma_start3A_25 = arith.constant 0 : i32
      %dma_start3A_26 = tpu.memref_slice %arg2[%add3A, %dma_start3A, %dma_start3A_25] : memref<32x79x128xi32, #tpu.memory_space<hbm>> -> memref<1x79x128xi32, #tpu.memory_space<hbm>>
      %dma_start3A_27 = tpu.memref_squeeze %dma_start3A_26 : memref<1x79x128xi32, #tpu.memory_space<hbm>> -> memref<79x128xi32, #tpu.memory_space<hbm>>
      %dma_start3A_28 = arith.constant 0 : i32
      %dma_start3A_29 = arith.constant 0 : i32
      %dma_start3A_30 = tpu.memref_slice %arg2[%add3A, %dma_start3A_28, %dma_start3A_29] : memref<32x79x128xi32, #tpu.memory_space<hbm>> -> memref<1x79x128xi32, #tpu.memory_space<hbm>>
      %dma_start3A_31 = tpu.memref_squeeze %dma_start3A_30 : memref<1x79x128xi32, #tpu.memory_space<hbm>> -> memref<79x128xi32, #tpu.memory_space<hbm>>
      tpu.enqueue_dma source(%dma_start3A_31 : memref<79x128xi32, #tpu.memory_space<hbm>>) target(%arg4 : memref<79x128xi32, #tpu.memory_space<vmem>>) target_semaphore(%run_scoped3A : memref<!tpu.dma_semaphore, #tpu.memory_space<semaphore_mem>>)
      %dma_wait3A = arith.constant 0 : i32
      %dma_wait3A_32 = arith.constant 0 : i32
      %dma_wait3A_33 = tpu.memref_slice %arg2[%add3A, %dma_wait3A, %dma_wait3A_32] : memref<32x79x128xi32, #tpu.memory_space<hbm>> -> memref<1x79x128xi32, #tpu.memory_space<hbm>>
      %dma_wait3A_34 = tpu.memref_squeeze %dma_wait3A_33 : memref<1x79x128xi32, #tpu.memory_space<hbm>> -> memref<79x128xi32, #tpu.memory_space<hbm>>
      %dma_wait3A_35 = arith.constant 0 : i32
      %dma_wait3A_36 = arith.constant 0 : i32
      %dma_wait3A_37 = tpu.memref_slice %arg2[%add3A, %dma_wait3A_35, %dma_wait3A_36] : memref<32x79x128xi32, #tpu.memory_space<hbm>> -> memref<1x79x128xi32, #tpu.memory_space<hbm>>
      %dma_wait3A_38 = tpu.memref_squeeze %dma_wait3A_37 : memref<1x79x128xi32, #tpu.memory_space<hbm>> -> memref<79x128xi32, #tpu.memory_space<hbm>>
      tpu.wait_dma2 semaphore(%run_scoped3A : memref<!tpu.dma_semaphore, #tpu.memory_space<semaphore_mem>>) src(%dma_wait3A_38 : memref<79x128xi32, #tpu.memory_space<hbm>>) dst(%arg4 : memref<79x128xi32, #tpu.memory_space<vmem>>)
      tpu.yield
    }) : () -> ()
    %scan3A = arith.constant 0 : i32
    %scan3A_1 = arith.constant 0 : i32
    %scan3A_2 = arith.constant 8 : i32
    %scan3A_3 = arith.addi %scan3A_1, %scan3A_2 : i32
    %scan3A_4 = arith.constant 1 : i32
    scf.for %scan3A_25 = %scan3A_1 to %scan3A_3 step %scan3A_4  : i32 {
      %broadcast_in_dim3A = arith.constant 1.000000e+00 : f32
      %broadcast_in_dim3A_26 = vector.broadcast %broadcast_in_dim3A : f32 to vector<16xf32>
      %mul3A_27 = arith.constant 16 : i32
      %mul3A_28 = arith.muli %scan3A_25, %mul3A_27 : i32
      %swap3A = arith.index_cast %mul3A_28 : i32 to index
      %swap3A_29 = tpu.vector_load %arg5[%swap3A] {strides = array<i32>} : memref<128xf32, #tpu.memory_space<vmem>>, vector<16xf32>,
      %swap3A_30 = vector.shape_cast %swap3A_29 : vector<16xf32> to vector<16xf32>
      %swap3A_31 = vector.shape_cast %broadcast_in_dim3A_26 : vector<16xf32> to vector<16xf32>
      tpu.vector_store %arg5[%swap3A], %swap3A_31 {strides = array<i32>} : memref<128xf32, #tpu.memory_space<vmem>>, vector<16xf32>,
    }
    %scan3A_5 = arith.constant 8 : i32
    %scan3A_6 = arith.constant 0 : i32
    %scan3A_7 = arith.constant 0 : i32
    %scan3A_8 = arith.constant 40 : i32
    %scan3A_9 = arith.addi %scan3A_7, %scan3A_8 : i32
    %scan3A_10 = arith.constant 1 : i32
    scf.for %scan3A_25 = %scan3A_7 to %scan3A_9 step %scan3A_10  : i32 {
      %broadcast_in_dim3A = arith.constant 0.000000e+00 : f32
      %broadcast_in_dim3A_26 = vector.broadcast %broadcast_in_dim3A : f32 to vector<16xf32>
      %mul3A_27 = arith.constant 16 : i32
      %mul3A_28 = arith.muli %scan3A_25, %mul3A_27 : i32
      %swap3A = arith.index_cast %mul3A_28 : i32 to index
      %swap3A_29 = tpu.vector_load %arg6[%swap3A] {strides = array<i32>} : memref<640xf32, #tpu.memory_space<vmem>>, vector<16xf32>,
      %swap3A_30 = vector.shape_cast %swap3A_29 : vector<16xf32> to vector<16xf32>
      %swap3A_31 = vector.shape_cast %broadcast_in_dim3A_26 : vector<16xf32> to vector<16xf32>
      tpu.vector_store %arg6[%swap3A], %swap3A_31 {strides = array<i32>} : memref<640xf32, #tpu.memory_space<vmem>>, vector<16xf32>,
    }
    %scan3A_11 = arith.constant 40 : i32
    %mul3A_12 = arith.constant 640 : i32
    %mul3A_13 = arith.muli %arg1, %mul3A_12 : i32
    "tpu.region"() ({
      %run_scoped3A = tpu.sem_alloc : memref<!tpu.dma_semaphore, #tpu.memory_space<semaphore_mem>>
      %dma_start3A = tpu.memref_slice %arg7[%mul3A_13] : memref<10240xf32, #tpu.memory_space<vmem_shared>> -> memref<640xf32, #tpu.memory_space<vmem_shared>>
      %dma_start3A_25 = tpu.memref_slice %arg7[%mul3A_13] : memref<10240xf32, #tpu.memory_space<vmem_shared>> -> memref<640xf32, #tpu.memory_space<vmem_shared>>
      tpu.enqueue_dma source(%arg6 : memref<640xf32, #tpu.memory_space<vmem>>) target(%dma_start3A_25 : memref<640xf32, #tpu.memory_space<vmem_shared>>) target_semaphore(%run_scoped3A : memref<!tpu.dma_semaphore, #tpu.memory_space<semaphore_mem>>)
      %dma_wait3A = tpu.memref_slice %arg7[%mul3A_13] : memref<10240xf32, #tpu.memory_space<vmem_shared>> -> memref<640xf32, #tpu.memory_space<vmem_shared>>
      %dma_wait3A_26 = tpu.memref_slice %arg7[%mul3A_13] : memref<10240xf32, #tpu.memory_space<vmem_shared>> -> memref<640xf32, #tpu.memory_space<vmem_shared>>
      tpu.wait_dma2 semaphore(%run_scoped3A : memref<!tpu.dma_semaphore, #tpu.memory_space<semaphore_mem>>) src(%arg6 : memref<640xf32, #tpu.memory_space<vmem>>) dst(%dma_wait3A_26 : memref<640xf32, #tpu.memory_space<vmem_shared>>)
      tpu.yield
    }) : () -> ()
    %barrier3A = arith.constant 0 : index
    tpu.barrier barrier_id(%barrier3A)
    %scan3A_14 = arith.constant 0 : i32
    %scan3A_15 = arith.constant 0 : i32
    %scan3A_16 = arith.constant 79 : i32
    %scan3A_17 = arith.addi %scan3A_15, %scan3A_16 : i32
    %scan3A_18 = arith.constant 1 : i32
    scf.for %scan3A_25 = %scan3A_15 to %scan3A_17 step %scan3A_18  : i32 {
      "tpu.region"() ({
        %run_scoped3A = tpu.sem_alloc : memref<!tpu.dma_semaphore, #tpu.memory_space<semaphore_mem>>
        %dma_start3A = arith.constant 0 : i32
        %dma_start3A_26 = tpu.memref_slice %arg4[%scan3A_25, %dma_start3A] : memref<79x128xi32, #tpu.memory_space<vmem>> -> memref<1x128xi32, #tpu.memory_space<vmem>>
        %dma_start3A_27 = tpu.memref_squeeze %dma_start3A_26 : memref<1x128xi32, #tpu.memory_space<vmem>> -> memref<128xi32, #tpu.memory_space<vmem>>
        %dma_start3A_28 = arith.constant 0 : i32
        %dma_start3A_29 = tpu.memref_slice %arg7[%dma_start3A_28] : memref<10240xf32, #tpu.memory_space<vmem_shared>> -> memref<10240xf32, #tpu.memory_space<vmem_shared>>
        tpu.enqueue_indirect_dma source(%arg5 : memref<128xf32, #tpu.memory_space<vmem>>) target(%dma_start3A_29 : memref<10240xf32, #tpu.memory_space<vmem_shared>>) offsets(%dma_start3A_27 : memref<128xi32, #tpu.memory_space<vmem>>) semaphore(%run_scoped3A : memref<!tpu.dma_semaphore, #tpu.memory_space<semaphore_mem>>) {add = true}
        %dma_wait3A = arith.constant 0 : i32
        %dma_wait3A_30 = tpu.memref_slice %arg4[%scan3A_25, %dma_wait3A] : memref<79x128xi32, #tpu.memory_space<vmem>> -> memref<1x128xi32, #tpu.memory_space<vmem>>
        %dma_wait3A_31 = tpu.memref_squeeze %dma_wait3A_30 : memref<1x128xi32, #tpu.memory_space<vmem>> -> memref<128xi32, #tpu.memory_space<vmem>>
        %dma_wait3A_32 = arith.constant 0 : i32
        %dma_wait3A_33 = tpu.memref_slice %arg7[%dma_wait3A_32] : memref<10240xf32, #tpu.memory_space<vmem_shared>> -> memref<10240xf32, #tpu.memory_space<vmem_shared>>
        tpu.wait_indirect_dma semaphore(%run_scoped3A : memref<!tpu.dma_semaphore, #tpu.memory_space<semaphore_mem>>) src(%arg5 : memref<128xf32, #tpu.memory_space<vmem>>) dst(%dma_wait3A_33 : memref<10240xf32, #tpu.memory_space<vmem_shared>>)
        tpu.yield
      }) : () -> ()
    }
    %scan3A_19 = arith.constant 79 : i32
    %barrier3A_20 = arith.constant 0 : index
    tpu.barrier barrier_id(%barrier3A_20)
    %mul3A_21 = arith.constant 640 : i32
    %mul3A_22 = arith.muli %arg1, %mul3A_21 : i32
    %mul3A_23 = arith.constant 640 : i32
    %mul3A_24 = arith.muli %arg1, %mul3A_23 : i32
    "tpu.region"() ({
      %run_scoped3A = tpu.sem_alloc : memref<!tpu.dma_semaphore, #tpu.memory_space<semaphore_mem>>
      %dma_start3A = tpu.memref_slice %arg3[%arg0, %mul3A_24] : memref<2x10240xf32, #tpu.memory_space<hbm>> -> memref<1x640xf32, #tpu.memory_space<hbm>>
      %dma_start3A_25 = tpu.memref_squeeze %dma_start3A : memref<1x640xf32, #tpu.memory_space<hbm>> -> memref<640xf32, #tpu.memory_space<hbm>>
      %dma_start3A_26 = tpu.memref_slice %arg7[%mul3A_22] : memref<10240xf32, #tpu.memory_space<vmem_shared>> -> memref<640xf32, #tpu.memory_space<vmem_shared>>
      tpu.enqueue_dma source(%dma_start3A_26 : memref<640xf32, #tpu.memory_space<vmem_shared>>) target(%dma_start3A_25 : memref<640xf32, #tpu.memory_space<hbm>>) target_semaphore(%run_scoped3A : memref<!tpu.dma_semaphore, #tpu.memory_space<semaphore_mem>>)
      %dma_wait3A = tpu.memref_slice %arg3[%arg0, %mul3A_24] : memref<2x10240xf32, #tpu.memory_space<hbm>> -> memref<1x640xf32, #tpu.memory_space<hbm>>
      %dma_wait3A_27 = tpu.memref_squeeze %dma_wait3A : memref<1x640xf32, #tpu.memory_space<hbm>> -> memref<640xf32, #tpu.memory_space<hbm>>
      %dma_wait3A_28 = tpu.memref_slice %arg7[%mul3A_22] : memref<10240xf32, #tpu.memory_space<vmem_shared>> -> memref<640xf32, #tpu.memory_space<vmem_shared>>
      tpu.wait_dma2 semaphore(%run_scoped3A : memref<!tpu.dma_semaphore, #tpu.memory_space<semaphore_mem>>) src(%dma_wait3A_28 : memref<640xf32, #tpu.memory_space<vmem_shared>>) dst(%dma_wait3A_27 : memref<640xf32, #tpu.memory_space<hbm>>)
      tpu.yield
    }) : () -> ()
    return
  }
}

#map = affine_map<(d0, d1) -> (0, 0)>
#map1 = affine_map<(d0, d1) -> (0, 0, 0)>
module attributes {stable_mosaic.version = 14 : i64} {
  func.func @scatter_kernel(%arg0: i32, %arg1: i32, %arg2: memref<10240x16xf32, #tpu.memory_space<hbm>>, %arg3: memref<32x79x128xi32, #tpu.memory_space<hbm>>, %arg4: memref<32x79x128xi32, #tpu.memory_space<hbm>>, %arg5: memref<640x16xf32, #tpu.memory_space<hbm>>, %arg6: memref<2x10240x16xf32, #tpu.memory_space<hbm>>, %arg7: memref<79x128xi32, #tpu.memory_space<vmem>>, %arg8: memref<79x128xi32, #tpu.memory_space<vmem>>, %arg9: memref<2x128x16xf32, #tpu.memory_space<vmem>>, %arg10: memref<640x16xf32, #tpu.memory_space<vmem>>, %arg11: memref<10240x16xf32, #tpu.memory_space<vmem_shared>>, %arg12: memref<!tpu.dma_semaphore, #tpu.memory_space<semaphore_mem>>) attributes {dimension_semantics = [#tpu.dimension_semantics<core_parallel>, #tpu.dimension_semantics<subcore_parallel>], iteration_bounds = array<i64: 2, 16>, scalar_prefetch = 0 : i64, scratch_operands = 6 : i64, tpu.core_type = #tpu.core_type<sc_vector_subcore>, window_params = [{transform_indices = #map}, {transform_indices = #map1}, {transform_indices = #map1}, {transform_indices = #map}, {transform_indices = #map1}]} {
    %mul3A = arith.constant 16 : i32
    %mul3A_0 = arith.muli %arg0, %mul3A : i32
    %add3A = arith.addi %mul3A_0, %arg1 : i32
    "tpu.region"() ({
      %run_scoped3A = tpu.sem_alloc : memref<!tpu.dma_semaphore, #tpu.memory_space<semaphore_mem>>
      %dma_start3A_24 = arith.constant 0 : i32
      %dma_start3A_25 = arith.constant 0 : i32
      %dma_start3A_26 = tpu.memref_slice %arg3[%add3A, %dma_start3A_24, %dma_start3A_25] : memref<32x79x128xi32, #tpu.memory_space<hbm>> -> memref<1x79x128xi32, #tpu.memory_space<hbm>>
      %dma_start3A_27 = tpu.memref_squeeze %dma_start3A_26 : memref<1x79x128xi32, #tpu.memory_space<hbm>> -> memref<79x128xi32, #tpu.memory_space<hbm>>
      %dma_start3A_28 = arith.constant 0 : i32
      %dma_start3A_29 = arith.constant 0 : i32
      %dma_start3A_30 = tpu.memref_slice %arg3[%add3A, %dma_start3A_28, %dma_start3A_29] : memref<32x79x128xi32, #tpu.memory_space<hbm>> -> memref<1x79x128xi32, #tpu.memory_space<hbm>>
      %dma_start3A_31 = tpu.memref_squeeze %dma_start3A_30 : memref<1x79x128xi32, #tpu.memory_space<hbm>> -> memref<79x128xi32, #tpu.memory_space<hbm>>
      tpu.enqueue_dma source(%dma_start3A_31 : memref<79x128xi32, #tpu.memory_space<hbm>>) target(%arg7 : memref<79x128xi32, #tpu.memory_space<vmem>>) target_semaphore(%run_scoped3A : memref<!tpu.dma_semaphore, #tpu.memory_space<semaphore_mem>>)
      %dma_wait3A = arith.constant 0 : i32
      %dma_wait3A_32 = arith.constant 0 : i32
      %dma_wait3A_33 = tpu.memref_slice %arg3[%add3A, %dma_wait3A, %dma_wait3A_32] : memref<32x79x128xi32, #tpu.memory_space<hbm>> -> memref<1x79x128xi32, #tpu.memory_space<hbm>>
      %dma_wait3A_34 = tpu.memref_squeeze %dma_wait3A_33 : memref<1x79x128xi32, #tpu.memory_space<hbm>> -> memref<79x128xi32, #tpu.memory_space<hbm>>
      %dma_wait3A_35 = arith.constant 0 : i32
      %dma_wait3A_36 = arith.constant 0 : i32
      %dma_wait3A_37 = tpu.memref_slice %arg3[%add3A, %dma_wait3A_35, %dma_wait3A_36] : memref<32x79x128xi32, #tpu.memory_space<hbm>> -> memref<1x79x128xi32, #tpu.memory_space<hbm>>
      %dma_wait3A_38 = tpu.memref_squeeze %dma_wait3A_37 : memref<1x79x128xi32, #tpu.memory_space<hbm>> -> memref<79x128xi32, #tpu.memory_space<hbm>>
      tpu.wait_dma2 semaphore(%run_scoped3A : memref<!tpu.dma_semaphore, #tpu.memory_space<semaphore_mem>>) src(%dma_wait3A_38 : memref<79x128xi32, #tpu.memory_space<hbm>>) dst(%arg7 : memref<79x128xi32, #tpu.memory_space<vmem>>)
      tpu.yield
    }) : () -> ()
    "tpu.region"() ({
      %run_scoped3A = tpu.sem_alloc : memref<!tpu.dma_semaphore, #tpu.memory_space<semaphore_mem>>
      %dma_start3A_24 = arith.constant 0 : i32
      %dma_start3A_25 = arith.constant 0 : i32
      %dma_start3A_26 = tpu.memref_slice %arg4[%add3A, %dma_start3A_24, %dma_start3A_25] : memref<32x79x128xi32, #tpu.memory_space<hbm>> -> memref<1x79x128xi32, #tpu.memory_space<hbm>>
      %dma_start3A_27 = tpu.memref_squeeze %dma_start3A_26 : memref<1x79x128xi32, #tpu.memory_space<hbm>> -> memref<79x128xi32, #tpu.memory_space<hbm>>
      %dma_start3A_28 = arith.constant 0 : i32
      %dma_start3A_29 = arith.constant 0 : i32
      %dma_start3A_30 = tpu.memref_slice %arg4[%add3A, %dma_start3A_28, %dma_start3A_29] : memref<32x79x128xi32, #tpu.memory_space<hbm>> -> memref<1x79x128xi32, #tpu.memory_space<hbm>>
      %dma_start3A_31 = tpu.memref_squeeze %dma_start3A_30 : memref<1x79x128xi32, #tpu.memory_space<hbm>> -> memref<79x128xi32, #tpu.memory_space<hbm>>
      tpu.enqueue_dma source(%dma_start3A_31 : memref<79x128xi32, #tpu.memory_space<hbm>>) target(%arg8 : memref<79x128xi32, #tpu.memory_space<vmem>>) target_semaphore(%run_scoped3A : memref<!tpu.dma_semaphore, #tpu.memory_space<semaphore_mem>>)
      %dma_wait3A = arith.constant 0 : i32
      %dma_wait3A_32 = arith.constant 0 : i32
      %dma_wait3A_33 = tpu.memref_slice %arg4[%add3A, %dma_wait3A, %dma_wait3A_32] : memref<32x79x128xi32, #tpu.memory_space<hbm>> -> memref<1x79x128xi32, #tpu.memory_space<hbm>>
      %dma_wait3A_34 = tpu.memref_squeeze %dma_wait3A_33 : memref<1x79x128xi32, #tpu.memory_space<hbm>> -> memref<79x128xi32, #tpu.memory_space<hbm>>
      %dma_wait3A_35 = arith.constant 0 : i32
      %dma_wait3A_36 = arith.constant 0 : i32
      %dma_wait3A_37 = tpu.memref_slice %arg4[%add3A, %dma_wait3A_35, %dma_wait3A_36] : memref<32x79x128xi32, #tpu.memory_space<hbm>> -> memref<1x79x128xi32, #tpu.memory_space<hbm>>
      %dma_wait3A_38 = tpu.memref_squeeze %dma_wait3A_37 : memref<1x79x128xi32, #tpu.memory_space<hbm>> -> memref<79x128xi32, #tpu.memory_space<hbm>>
      tpu.wait_dma2 semaphore(%run_scoped3A : memref<!tpu.dma_semaphore, #tpu.memory_space<semaphore_mem>>) src(%dma_wait3A_38 : memref<79x128xi32, #tpu.memory_space<hbm>>) dst(%arg8 : memref<79x128xi32, #tpu.memory_space<vmem>>)
      tpu.yield
    }) : () -> ()
    "tpu.region"() ({
      %run_scoped3A = tpu.sem_alloc : memref<!tpu.dma_semaphore, #tpu.memory_space<semaphore_mem>>
      tpu.enqueue_dma source(%arg5 : memref<640x16xf32, #tpu.memory_space<hbm>>) target(%arg10 : memref<640x16xf32, #tpu.memory_space<vmem>>) target_semaphore(%run_scoped3A : memref<!tpu.dma_semaphore, #tpu.memory_space<semaphore_mem>>)
      tpu.wait_dma2 semaphore(%run_scoped3A : memref<!tpu.dma_semaphore, #tpu.memory_space<semaphore_mem>>) src(%arg5 : memref<640x16xf32, #tpu.memory_space<hbm>>) dst(%arg10 : memref<640x16xf32, #tpu.memory_space<vmem>>)
      tpu.yield
    }) : () -> ()
    %mul3A_1 = arith.constant 640 : i32
    %mul3A_2 = arith.muli %arg1, %mul3A_1 : i32
    "tpu.region"() ({
      %run_scoped3A = tpu.sem_alloc : memref<!tpu.dma_semaphore, #tpu.memory_space<semaphore_mem>>
      %dma_start3A_24 = arith.constant 0 : i32
      %dma_start3A_25 = tpu.memref_slice %arg11[%mul3A_2, %dma_start3A_24] : memref<10240x16xf32, #tpu.memory_space<vmem_shared>> -> memref<640x16xf32, #tpu.memory_space<vmem_shared>>
      %dma_start3A_26 = arith.constant 0 : i32
      %dma_start3A_27 = tpu.memref_slice %arg11[%mul3A_2, %dma_start3A_26] : memref<10240x16xf32, #tpu.memory_space<vmem_shared>> -> memref<640x16xf32, #tpu.memory_space<vmem_shared>>
      tpu.enqueue_dma source(%arg10 : memref<640x16xf32, #tpu.memory_space<vmem>>) target(%dma_start3A_27 : memref<640x16xf32, #tpu.memory_space<vmem_shared>>) target_semaphore(%run_scoped3A : memref<!tpu.dma_semaphore, #tpu.memory_space<semaphore_mem>>)
      %dma_wait3A = arith.constant 0 : i32
      %dma_wait3A_28 = tpu.memref_slice %arg11[%mul3A_2, %dma_wait3A] : memref<10240x16xf32, #tpu.memory_space<vmem_shared>> -> memref<640x16xf32, #tpu.memory_space<vmem_shared>>
      %dma_wait3A_29 = arith.constant 0 : i32
      %dma_wait3A_30 = tpu.memref_slice %arg11[%mul3A_2, %dma_wait3A_29] : memref<10240x16xf32, #tpu.memory_space<vmem_shared>> -> memref<640x16xf32, #tpu.memory_space<vmem_shared>>
      tpu.wait_dma2 semaphore(%run_scoped3A : memref<!tpu.dma_semaphore, #tpu.memory_space<semaphore_mem>>) src(%arg10 : memref<640x16xf32, #tpu.memory_space<vmem>>) dst(%dma_wait3A_30 : memref<640x16xf32, #tpu.memory_space<vmem_shared>>)
      tpu.yield
    }) : () -> ()
    %barrier3A = arith.constant 0 : index
    tpu.barrier barrier_id(%barrier3A)
    %dma_start3A = arith.constant 0 : i32
    %dma_start3A_3 = arith.constant 0 : i32
    %dma_start3A_4 = arith.constant 0 : i32
    %dma_start3A_5 = arith.constant 0 : i32
    %dma_start3A_6 = tpu.memref_slice %arg9[%dma_start3A_3, %dma_start3A_4, %dma_start3A_5] : memref<2x128x16xf32, #tpu.memory_space<vmem>> -> memref<1x128x16xf32, #tpu.memory_space<vmem>>
    %dma_start3A_7 = tpu.memref_squeeze %dma_start3A_6 : memref<1x128x16xf32, #tpu.memory_space<vmem>> -> memref<128x16xf32, #tpu.memory_space<vmem>>
    %dma_start3A_8 = arith.constant 0 : i32
    %dma_start3A_9 = tpu.memref_slice %arg7[%dma_start3A, %dma_start3A_8] : memref<79x128xi32, #tpu.memory_space<vmem>> -> memref<1x128xi32, #tpu.memory_space<vmem>>
    %dma_start3A_10 = tpu.memref_squeeze %dma_start3A_9 : memref<1x128xi32, #tpu.memory_space<vmem>> -> memref<128xi32, #tpu.memory_space<vmem>>
    %dma_start3A_11 = arith.constant 0 : i32
    %dma_start3A_12 = arith.constant 0 : i32
    %dma_start3A_13 = tpu.memref_slice %arg2[%dma_start3A_11, %dma_start3A_12] : memref<10240x16xf32, #tpu.memory_space<hbm>> -> memref<10240x16xf32, #tpu.memory_space<hbm>>
    tpu.enqueue_indirect_dma source(%dma_start3A_13 : memref<10240x16xf32, #tpu.memory_space<hbm>>) target(%dma_start3A_7 : memref<128x16xf32, #tpu.memory_space<vmem>>) offsets(%dma_start3A_10 : memref<128xi32, #tpu.memory_space<vmem>>) semaphore(%arg12 : memref<!tpu.dma_semaphore, #tpu.memory_space<semaphore_mem>>)
    %scan3A = arith.constant 0 : i32
    %scan3A_14 = arith.constant 0 : i32
    %scan3A_15 = arith.constant 79 : i32
    %scan3A_16 = arith.addi %scan3A_14, %scan3A_15 : i32
    %scan3A_17 = arith.constant 1 : i32
    scf.for %scan3A_24 = %scan3A_14 to %scan3A_16 step %scan3A_17  : i32 {
      %rem3A = arith.constant 2 : i32
      %rem3A_25 = arith.remsi %scan3A_24, %rem3A : i32
      %dma_wait3A = arith.constant 0 : i32
      %dma_wait3A_26 = arith.constant 0 : i32
      %dma_wait3A_27 = tpu.memref_slice %arg9[%rem3A_25, %dma_wait3A, %dma_wait3A_26] : memref<2x128x16xf32, #tpu.memory_space<vmem>> -> memref<1x128x16xf32, #tpu.memory_space<vmem>>
      %dma_wait3A_28 = tpu.memref_squeeze %dma_wait3A_27 : memref<1x128x16xf32, #tpu.memory_space<vmem>> -> memref<128x16xf32, #tpu.memory_space<vmem>>
      %dma_wait3A_29 = arith.constant 0 : i32
      %dma_wait3A_30 = tpu.memref_slice %arg7[%scan3A_24, %dma_wait3A_29] : memref<79x128xi32, #tpu.memory_space<vmem>> -> memref<1x128xi32, #tpu.memory_space<vmem>>
      %dma_wait3A_31 = tpu.memref_squeeze %dma_wait3A_30 : memref<1x128xi32, #tpu.memory_space<vmem>> -> memref<128xi32, #tpu.memory_space<vmem>>
      %dma_wait3A_32 = arith.constant 0 : i32
      %dma_wait3A_33 = arith.constant 0 : i32
      %dma_wait3A_34 = tpu.memref_slice %arg2[%dma_wait3A_32, %dma_wait3A_33] : memref<10240x16xf32, #tpu.memory_space<hbm>> -> memref<10240x16xf32, #tpu.memory_space<hbm>>
      tpu.wait_indirect_dma semaphore(%arg12 : memref<!tpu.dma_semaphore, #tpu.memory_space<semaphore_mem>>) src(%dma_wait3A_34 : memref<10240x16xf32, #tpu.memory_space<hbm>>) dst(%dma_wait3A_28 : memref<128x16xf32, #tpu.memory_space<vmem>>)
      %add3A_35 = arith.constant 1 : i32
      %add3A_36 = arith.addi %scan3A_24, %add3A_35 : i32
      %lt3A = arith.constant 79 : i32
      %lt3A_37 = arith.cmpi slt, %add3A_36, %lt3A : i32
      %convert_element_type3A = arith.extui %lt3A_37 : i1 to i32
      %cond3A = arith.constant 0 : i32
      %cond3A_38 = arith.cmpi ne, %convert_element_type3A, %cond3A : i32
      scf.if %cond3A_38 {
        %add3A_39 = arith.constant 1 : i32
        %add3A_40 = arith.addi %scan3A_24, %add3A_39 : i32
        %sub3A = arith.constant 1 : i32
        %sub3A_41 = arith.subi %sub3A, %rem3A_25 : i32
        %dma_start3A_42 = arith.constant 0 : i32
        %dma_start3A_43 = arith.constant 0 : i32
        %dma_start3A_44 = tpu.memref_slice %arg9[%sub3A_41, %dma_start3A_42, %dma_start3A_43] : memref<2x128x16xf32, #tpu.memory_space<vmem>> -> memref<1x128x16xf32, #tpu.memory_space<vmem>>
        %dma_start3A_45 = tpu.memref_squeeze %dma_start3A_44 : memref<1x128x16xf32, #tpu.memory_space<vmem>> -> memref<128x16xf32, #tpu.memory_space<vmem>>
        %dma_start3A_46 = arith.constant 0 : i32
        %dma_start3A_47 = tpu.memref_slice %arg7[%add3A_40, %dma_start3A_46] : memref<79x128xi32, #tpu.memory_space<vmem>> -> memref<1x128xi32, #tpu.memory_space<vmem>>
        %dma_start3A_48 = tpu.memref_squeeze %dma_start3A_47 : memref<1x128xi32, #tpu.memory_space<vmem>> -> memref<128xi32, #tpu.memory_space<vmem>>
        %dma_start3A_49 = arith.constant 0 : i32
        %dma_start3A_50 = arith.constant 0 : i32
        %dma_start3A_51 = tpu.memref_slice %arg2[%dma_start3A_49, %dma_start3A_50] : memref<10240x16xf32, #tpu.memory_space<hbm>> -> memref<10240x16xf32, #tpu.memory_space<hbm>>
        tpu.enqueue_indirect_dma source(%dma_start3A_51 : memref<10240x16xf32, #tpu.memory_space<hbm>>) target(%dma_start3A_45 : memref<128x16xf32, #tpu.memory_space<vmem>>) offsets(%dma_start3A_48 : memref<128xi32, #tpu.memory_space<vmem>>) semaphore(%arg12 : memref<!tpu.dma_semaphore, #tpu.memory_space<semaphore_mem>>)
      } else {
      }
      "tpu.region"() ({
        %run_scoped3A = tpu.sem_alloc : memref<!tpu.dma_semaphore, #tpu.memory_space<semaphore_mem>>
        %dma_start3A_39 = arith.constant 0 : i32
        %dma_start3A_40 = arith.constant 0 : i32
        %dma_start3A_41 = tpu.memref_slice %arg9[%rem3A_25, %dma_start3A_39, %dma_start3A_40] : memref<2x128x16xf32, #tpu.memory_space<vmem>> -> memref<1x128x16xf32, #tpu.memory_space<vmem>>
        %dma_start3A_42 = tpu.memref_squeeze %dma_start3A_41 : memref<1x128x16xf32, #tpu.memory_space<vmem>> -> memref<128x16xf32, #tpu.memory_space<vmem>>
        %dma_start3A_43 = arith.constant 0 : i32
        %dma_start3A_44 = tpu.memref_slice %arg8[%scan3A_24, %dma_start3A_43] : memref<79x128xi32, #tpu.memory_space<vmem>> -> memref<1x128xi32, #tpu.memory_space<vmem>>
        %dma_start3A_45 = tpu.memref_squeeze %dma_start3A_44 : memref<1x128xi32, #tpu.memory_space<vmem>> -> memref<128xi32, #tpu.memory_space<vmem>>
        %dma_start3A_46 = arith.constant 0 : i32
        %dma_start3A_47 = arith.constant 0 : i32
        %dma_start3A_48 = tpu.memref_slice %arg11[%dma_start3A_46, %dma_start3A_47] : memref<10240x16xf32, #tpu.memory_space<vmem_shared>> -> memref<10240x16xf32, #tpu.memory_space<vmem_shared>>
        tpu.enqueue_indirect_dma source(%dma_start3A_42 : memref<128x16xf32, #tpu.memory_space<vmem>>) target(%dma_start3A_48 : memref<10240x16xf32, #tpu.memory_space<vmem_shared>>) offsets(%dma_start3A_45 : memref<128xi32, #tpu.memory_space<vmem>>) semaphore(%run_scoped3A : memref<!tpu.dma_semaphore, #tpu.memory_space<semaphore_mem>>) {add = true}
        %dma_wait3A_49 = arith.constant 0 : i32
        %dma_wait3A_50 = arith.constant 0 : i32
        %dma_wait3A_51 = tpu.memref_slice %arg9[%rem3A_25, %dma_wait3A_49, %dma_wait3A_50] : memref<2x128x16xf32, #tpu.memory_space<vmem>> -> memref<1x128x16xf32, #tpu.memory_space<vmem>>
        %dma_wait3A_52 = tpu.memref_squeeze %dma_wait3A_51 : memref<1x128x16xf32, #tpu.memory_space<vmem>> -> memref<128x16xf32, #tpu.memory_space<vmem>>
        %dma_wait3A_53 = arith.constant 0 : i32
        %dma_wait3A_54 = tpu.memref_slice %arg8[%scan3A_24, %dma_wait3A_53] : memref<79x128xi32, #tpu.memory_space<vmem>> -> memref<1x128xi32, #tpu.memory_space<vmem>>
        %dma_wait3A_55 = tpu.memref_squeeze %dma_wait3A_54 : memref<1x128xi32, #tpu.memory_space<vmem>> -> memref<128xi32, #tpu.memory_space<vmem>>
        %dma_wait3A_56 = arith.constant 0 : i32
        %dma_wait3A_57 = arith.constant 0 : i32
        %dma_wait3A_58 = tpu.memref_slice %arg11[%dma_wait3A_56, %dma_wait3A_57] : memref<10240x16xf32, #tpu.memory_space<vmem_shared>> -> memref<10240x16xf32, #tpu.memory_space<vmem_shared>>
        tpu.wait_indirect_dma semaphore(%run_scoped3A : memref<!tpu.dma_semaphore, #tpu.memory_space<semaphore_mem>>) src(%dma_wait3A_52 : memref<128x16xf32, #tpu.memory_space<vmem>>) dst(%dma_wait3A_58 : memref<10240x16xf32, #tpu.memory_space<vmem_shared>>)
        tpu.yield
      }) : () -> ()
    }
    %scan3A_18 = arith.constant 79 : i32
    %barrier3A_19 = arith.constant 0 : index
    tpu.barrier barrier_id(%barrier3A_19)
    %mul3A_20 = arith.constant 640 : i32
    %mul3A_21 = arith.muli %arg1, %mul3A_20 : i32
    %mul3A_22 = arith.constant 640 : i32
    %mul3A_23 = arith.muli %arg1, %mul3A_22 : i32
    "tpu.region"() ({
      %run_scoped3A = tpu.sem_alloc : memref<!tpu.dma_semaphore, #tpu.memory_space<semaphore_mem>>
      %dma_start3A_24 = arith.constant 0 : i32
      %dma_start3A_25 = tpu.memref_slice %arg6[%arg0, %mul3A_23, %dma_start3A_24] : memref<2x10240x16xf32, #tpu.memory_space<hbm>> -> memref<1x640x16xf32, #tpu.memory_space<hbm>>
      %dma_start3A_26 = tpu.memref_squeeze %dma_start3A_25 : memref<1x640x16xf32, #tpu.memory_space<hbm>> -> memref<640x16xf32, #tpu.memory_space<hbm>>
      %dma_start3A_27 = arith.constant 0 : i32
      %dma_start3A_28 = tpu.memref_slice %arg11[%mul3A_21, %dma_start3A_27] : memref<10240x16xf32, #tpu.memory_space<vmem_shared>> -> memref<640x16xf32, #tpu.memory_space<vmem_shared>>
      tpu.enqueue_dma source(%dma_start3A_28 : memref<640x16xf32, #tpu.memory_space<vmem_shared>>) target(%dma_start3A_26 : memref<640x16xf32, #tpu.memory_space<hbm>>) target_semaphore(%run_scoped3A : memref<!tpu.dma_semaphore, #tpu.memory_space<semaphore_mem>>)
      %dma_wait3A = arith.constant 0 : i32
      %dma_wait3A_29 = tpu.memref_slice %arg6[%arg0, %mul3A_23, %dma_wait3A] : memref<2x10240x16xf32, #tpu.memory_space<hbm>> -> memref<1x640x16xf32, #tpu.memory_space<hbm>>
      %dma_wait3A_30 = tpu.memref_squeeze %dma_wait3A_29 : memref<1x640x16xf32, #tpu.memory_space<hbm>> -> memref<640x16xf32, #tpu.memory_space<hbm>>
      %dma_wait3A_31 = arith.constant 0 : i32
      %dma_wait3A_32 = tpu.memref_slice %arg11[%mul3A_21, %dma_wait3A_31] : memref<10240x16xf32, #tpu.memory_space<vmem_shared>> -> memref<640x16xf32, #tpu.memory_space<vmem_shared>>
      tpu.wait_dma2 semaphore(%run_scoped3A : memref<!tpu.dma_semaphore, #tpu.memory_space<semaphore_mem>>) src(%dma_wait3A_32 : memref<640x16xf32, #tpu.memory_space<vmem_shared>>) dst(%dma_wait3A_30 : memref<640x16xf32, #tpu.memory_space<hbm>>)
      tpu.yield
    }) : () -> ()
    return
  }
}

#map = affine_map<(d0, d1) -> (0, 0)>
#map1 = affine_map<(d0, d1) -> (0, 0, 0)>
module attributes {stable_mosaic.version = 14 : i64} {
  func.func @scatter_kernel(%arg0: i32, %arg1: i32, %arg2: memref<10240x16xf32, #tpu.memory_space<hbm>>, %arg3: memref<32x79x128xi32, #tpu.memory_space<hbm>>, %arg4: memref<32x79x128xi32, #tpu.memory_space<hbm>>, %arg5: memref<640x16xf32, #tpu.memory_space<hbm>>, %arg6: memref<2x10240x16xf32, #tpu.memory_space<hbm>>, %arg7: memref<79x128xi32, #tpu.memory_space<vmem>>, %arg8: memref<79x128xi32, #tpu.memory_space<vmem>>, %arg9: memref<2x128x16xf32, #tpu.memory_space<vmem>>, %arg10: memref<640x16xf32, #tpu.memory_space<vmem>>, %arg11: memref<10240x16xf32, #tpu.memory_space<vmem_shared>>, %arg12: memref<!tpu.dma_semaphore, #tpu.memory_space<semaphore_mem>>) attributes {dimension_semantics = [#tpu.dimension_semantics<core_parallel>, #tpu.dimension_semantics<subcore_parallel>], iteration_bounds = array<i64: 2, 16>, scalar_prefetch = 0 : i64, scratch_operands = 6 : i64, tpu.core_type = #tpu.core_type<sc_vector_subcore>, window_params = [{transform_indices = #map}, {transform_indices = #map1}, {transform_indices = #map1}, {transform_indices = #map}, {transform_indices = #map1}]} {
    %mul3A = arith.constant 16 : i32
    %mul3A_0 = arith.muli %arg0, %mul3A : i32
    %add3A = arith.addi %mul3A_0, %arg1 : i32
    "tpu.region"() ({
      %run_scoped3A = tpu.sem_alloc : memref<!tpu.dma_semaphore, #tpu.memory_space<semaphore_mem>>
      %dma_start3A_24 = arith.constant 0 : i32
      %dma_start3A_25 = arith.constant 0 : i32
      %dma_start3A_26 = tpu.memref_slice %arg3[%add3A, %dma_start3A_24, %dma_start3A_25] : memref<32x79x128xi32, #tpu.memory_space<hbm>> -> memref<1x79x128xi32, #tpu.memory_space<hbm>>
      %dma_start3A_27 = tpu.memref_squeeze %dma_start3A_26 : memref<1x79x128xi32, #tpu.memory_space<hbm>> -> memref<79x128xi32, #tpu.memory_space<hbm>>
      %dma_start3A_28 = arith.constant 0 : i32
      %dma_start3A_29 = arith.constant 0 : i32
      %dma_start3A_30 = tpu.memref_slice %arg3[%add3A, %dma_start3A_28, %dma_start3A_29] : memref<32x79x128xi32, #tpu.memory_space<hbm>> -> memref<1x79x128xi32, #tpu.memory_space<hbm>>
      %dma_start3A_31 = tpu.memref_squeeze %dma_start3A_30 : memref<1x79x128xi32, #tpu.memory_space<hbm>> -> memref<79x128xi32, #tpu.memory_space<hbm>>
      tpu.enqueue_dma source(%dma_start3A_31 : memref<79x128xi32, #tpu.memory_space<hbm>>) target(%arg7 : memref<79x128xi32, #tpu.memory_space<vmem>>) target_semaphore(%run_scoped3A : memref<!tpu.dma_semaphore, #tpu.memory_space<semaphore_mem>>)
      %dma_wait3A = arith.constant 0 : i32
      %dma_wait3A_32 = arith.constant 0 : i32
      %dma_wait3A_33 = tpu.memref_slice %arg3[%add3A, %dma_wait3A, %dma_wait3A_32] : memref<32x79x128xi32, #tpu.memory_space<hbm>> -> memref<1x79x128xi32, #tpu.memory_space<hbm>>
      %dma_wait3A_34 = tpu.memref_squeeze %dma_wait3A_33 : memref<1x79x128xi32, #tpu.memory_space<hbm>> -> memref<79x128xi32, #tpu.memory_space<hbm>>
      %dma_wait3A_35 = arith.constant 0 : i32
      %dma_wait3A_36 = arith.constant 0 : i32
      %dma_wait3A_37 = tpu.memref_slice %arg3[%add3A, %dma_wait3A_35, %dma_wait3A_36] : memref<32x79x128xi32, #tpu.memory_space<hbm>> -> memref<1x79x128xi32, #tpu.memory_space<hbm>>
      %dma_wait3A_38 = tpu.memref_squeeze %dma_wait3A_37 : memref<1x79x128xi32, #tpu.memory_space<hbm>> -> memref<79x128xi32, #tpu.memory_space<hbm>>
      tpu.wait_dma2 semaphore(%run_scoped3A : memref<!tpu.dma_semaphore, #tpu.memory_space<semaphore_mem>>) src(%dma_wait3A_38 : memref<79x128xi32, #tpu.memory_space<hbm>>) dst(%arg7 : memref<79x128xi32, #tpu.memory_space<vmem>>)
      tpu.yield
    }) : () -> ()
    "tpu.region"() ({
      %run_scoped3A = tpu.sem_alloc : memref<!tpu.dma_semaphore, #tpu.memory_space<semaphore_mem>>
      %dma_start3A_24 = arith.constant 0 : i32
      %dma_start3A_25 = arith.constant 0 : i32
      %dma_start3A_26 = tpu.memref_slice %arg4[%add3A, %dma_start3A_24, %dma_start3A_25] : memref<32x79x128xi32, #tpu.memory_space<hbm>> -> memref<1x79x128xi32, #tpu.memory_space<hbm>>
      %dma_start3A_27 = tpu.memref_squeeze %dma_start3A_26 : memref<1x79x128xi32, #tpu.memory_space<hbm>> -> memref<79x128xi32, #tpu.memory_space<hbm>>
      %dma_start3A_28 = arith.constant 0 : i32
      %dma_start3A_29 = arith.constant 0 : i32
      %dma_start3A_30 = tpu.memref_slice %arg4[%add3A, %dma_start3A_28, %dma_start3A_29] : memref<32x79x128xi32, #tpu.memory_space<hbm>> -> memref<1x79x128xi32, #tpu.memory_space<hbm>>
      %dma_start3A_31 = tpu.memref_squeeze %dma_start3A_30 : memref<1x79x128xi32, #tpu.memory_space<hbm>> -> memref<79x128xi32, #tpu.memory_space<hbm>>
      tpu.enqueue_dma source(%dma_start3A_31 : memref<79x128xi32, #tpu.memory_space<hbm>>) target(%arg8 : memref<79x128xi32, #tpu.memory_space<vmem>>) target_semaphore(%run_scoped3A : memref<!tpu.dma_semaphore, #tpu.memory_space<semaphore_mem>>)
      %dma_wait3A = arith.constant 0 : i32
      %dma_wait3A_32 = arith.constant 0 : i32
      %dma_wait3A_33 = tpu.memref_slice %arg4[%add3A, %dma_wait3A, %dma_wait3A_32] : memref<32x79x128xi32, #tpu.memory_space<hbm>> -> memref<1x79x128xi32, #tpu.memory_space<hbm>>
      %dma_wait3A_34 = tpu.memref_squeeze %dma_wait3A_33 : memref<1x79x128xi32, #tpu.memory_space<hbm>> -> memref<79x128xi32, #tpu.memory_space<hbm>>
      %dma_wait3A_35 = arith.constant 0 : i32
      %dma_wait3A_36 = arith.constant 0 : i32
      %dma_wait3A_37 = tpu.memref_slice %arg4[%add3A, %dma_wait3A_35, %dma_wait3A_36] : memref<32x79x128xi32, #tpu.memory_space<hbm>> -> memref<1x79x128xi32, #tpu.memory_space<hbm>>
      %dma_wait3A_38 = tpu.memref_squeeze %dma_wait3A_37 : memref<1x79x128xi32, #tpu.memory_space<hbm>> -> memref<79x128xi32, #tpu.memory_space<hbm>>
      tpu.wait_dma2 semaphore(%run_scoped3A : memref<!tpu.dma_semaphore, #tpu.memory_space<semaphore_mem>>) src(%dma_wait3A_38 : memref<79x128xi32, #tpu.memory_space<hbm>>) dst(%arg8 : memref<79x128xi32, #tpu.memory_space<vmem>>)
      tpu.yield
    }) : () -> ()
    "tpu.region"() ({
      %run_scoped3A = tpu.sem_alloc : memref<!tpu.dma_semaphore, #tpu.memory_space<semaphore_mem>>
      tpu.enqueue_dma source(%arg5 : memref<640x16xf32, #tpu.memory_space<hbm>>) target(%arg10 : memref<640x16xf32, #tpu.memory_space<vmem>>) target_semaphore(%run_scoped3A : memref<!tpu.dma_semaphore, #tpu.memory_space<semaphore_mem>>)
      tpu.wait_dma2 semaphore(%run_scoped3A : memref<!tpu.dma_semaphore, #tpu.memory_space<semaphore_mem>>) src(%arg5 : memref<640x16xf32, #tpu.memory_space<hbm>>) dst(%arg10 : memref<640x16xf32, #tpu.memory_space<vmem>>)
      tpu.yield
    }) : () -> ()
    %mul3A_1 = arith.constant 640 : i32
    %mul3A_2 = arith.muli %arg1, %mul3A_1 : i32
    "tpu.region"() ({
      %run_scoped3A = tpu.sem_alloc : memref<!tpu.dma_semaphore, #tpu.memory_space<semaphore_mem>>
      %dma_start3A_24 = arith.constant 0 : i32
      %dma_start3A_25 = tpu.memref_slice %arg11[%mul3A_2, %dma_start3A_24] : memref<10240x16xf32, #tpu.memory_space<vmem_shared>> -> memref<640x16xf32, #tpu.memory_space<vmem_shared>>
      %dma_start3A_26 = arith.constant 0 : i32
      %dma_start3A_27 = tpu.memref_slice %arg11[%mul3A_2, %dma_start3A_26] : memref<10240x16xf32, #tpu.memory_space<vmem_shared>> -> memref<640x16xf32, #tpu.memory_space<vmem_shared>>
      tpu.enqueue_dma source(%arg10 : memref<640x16xf32, #tpu.memory_space<vmem>>) target(%dma_start3A_27 : memref<640x16xf32, #tpu.memory_space<vmem_shared>>) target_semaphore(%run_scoped3A : memref<!tpu.dma_semaphore, #tpu.memory_space<semaphore_mem>>)
      %dma_wait3A = arith.constant 0 : i32
      %dma_wait3A_28 = tpu.memref_slice %arg11[%mul3A_2, %dma_wait3A] : memref<10240x16xf32, #tpu.memory_space<vmem_shared>> -> memref<640x16xf32, #tpu.memory_space<vmem_shared>>
      %dma_wait3A_29 = arith.constant 0 : i32
      %dma_wait3A_30 = tpu.memref_slice %arg11[%mul3A_2, %dma_wait3A_29] : memref<10240x16xf32, #tpu.memory_space<vmem_shared>> -> memref<640x16xf32, #tpu.memory_space<vmem_shared>>
      tpu.wait_dma2 semaphore(%run_scoped3A : memref<!tpu.dma_semaphore, #tpu.memory_space<semaphore_mem>>) src(%arg10 : memref<640x16xf32, #tpu.memory_space<vmem>>) dst(%dma_wait3A_30 : memref<640x16xf32, #tpu.memory_space<vmem_shared>>)
      tpu.yield
    }) : () -> ()
    %barrier3A = arith.constant 0 : index
    tpu.barrier barrier_id(%barrier3A)
    %dma_start3A = arith.constant 0 : i32
    %dma_start3A_3 = arith.constant 0 : i32
    %dma_start3A_4 = arith.constant 0 : i32
    %dma_start3A_5 = arith.constant 0 : i32
    %dma_start3A_6 = tpu.memref_slice %arg9[%dma_start3A_3, %dma_start3A_4, %dma_start3A_5] : memref<2x128x16xf32, #tpu.memory_space<vmem>> -> memref<1x128x16xf32, #tpu.memory_space<vmem>>
    %dma_start3A_7 = tpu.memref_squeeze %dma_start3A_6 : memref<1x128x16xf32, #tpu.memory_space<vmem>> -> memref<128x16xf32, #tpu.memory_space<vmem>>
    %dma_start3A_8 = arith.constant 0 : i32
    %dma_start3A_9 = tpu.memref_slice %arg7[%dma_start3A, %dma_start3A_8] : memref<79x128xi32, #tpu.memory_space<vmem>> -> memref<1x128xi32, #tpu.memory_space<vmem>>
    %dma_start3A_10 = tpu.memref_squeeze %dma_start3A_9 : memref<1x128xi32, #tpu.memory_space<vmem>> -> memref<128xi32, #tpu.memory_space<vmem>>
    %dma_start3A_11 = arith.constant 0 : i32
    %dma_start3A_12 = arith.constant 0 : i32
    %dma_start3A_13 = tpu.memref_slice %arg2[%dma_start3A_11, %dma_start3A_12] : memref<10240x16xf32, #tpu.memory_space<hbm>> -> memref<10240x16xf32, #tpu.memory_space<hbm>>
    tpu.enqueue_indirect_dma source(%dma_start3A_13 : memref<10240x16xf32, #tpu.memory_space<hbm>>) target(%dma_start3A_7 : memref<128x16xf32, #tpu.memory_space<vmem>>) offsets(%dma_start3A_10 : memref<128xi32, #tpu.memory_space<vmem>>) semaphore(%arg12 : memref<!tpu.dma_semaphore, #tpu.memory_space<semaphore_mem>>)
    %scan3A = arith.constant 0 : i32
    %scan3A_14 = arith.constant 0 : i32
    %scan3A_15 = arith.constant 79 : i32
    %scan3A_16 = arith.addi %scan3A_14, %scan3A_15 : i32
    %scan3A_17 = arith.constant 1 : i32
    scf.for %scan3A_24 = %scan3A_14 to %scan3A_16 step %scan3A_17  : i32 {
      %rem3A = arith.constant 2 : i32
      %rem3A_25 = arith.remsi %scan3A_24, %rem3A : i32
      %dma_wait3A = arith.constant 0 : i32
      %dma_wait3A_26 = arith.constant 0 : i32
      %dma_wait3A_27 = tpu.memref_slice %arg9[%rem3A_25, %dma_wait3A, %dma_wait3A_26] : memref<2x128x16xf32, #tpu.memory_space<vmem>> -> memref<1x128x16xf32, #tpu.memory_space<vmem>>
      %dma_wait3A_28 = tpu.memref_squeeze %dma_wait3A_27 : memref<1x128x16xf32, #tpu.memory_space<vmem>> -> memref<128x16xf32, #tpu.memory_space<vmem>>
      %dma_wait3A_29 = arith.constant 0 : i32
      %dma_wait3A_30 = tpu.memref_slice %arg7[%scan3A_24, %dma_wait3A_29] : memref<79x128xi32, #tpu.memory_space<vmem>> -> memref<1x128xi32, #tpu.memory_space<vmem>>
      %dma_wait3A_31 = tpu.memref_squeeze %dma_wait3A_30 : memref<1x128xi32, #tpu.memory_space<vmem>> -> memref<128xi32, #tpu.memory_space<vmem>>
      %dma_wait3A_32 = arith.constant 0 : i32
      %dma_wait3A_33 = arith.constant 0 : i32
      %dma_wait3A_34 = tpu.memref_slice %arg2[%dma_wait3A_32, %dma_wait3A_33] : memref<10240x16xf32, #tpu.memory_space<hbm>> -> memref<10240x16xf32, #tpu.memory_space<hbm>>
      tpu.wait_indirect_dma semaphore(%arg12 : memref<!tpu.dma_semaphore, #tpu.memory_space<semaphore_mem>>) src(%dma_wait3A_34 : memref<10240x16xf32, #tpu.memory_space<hbm>>) dst(%dma_wait3A_28 : memref<128x16xf32, #tpu.memory_space<vmem>>)
      %add3A_35 = arith.constant 1 : i32
      %add3A_36 = arith.addi %scan3A_24, %add3A_35 : i32
      %lt3A = arith.constant 79 : i32
      %lt3A_37 = arith.cmpi slt, %add3A_36, %lt3A : i32
      %convert_element_type3A = arith.extui %lt3A_37 : i1 to i32
      %cond3A = arith.constant 0 : i32
      %cond3A_38 = arith.cmpi ne, %convert_element_type3A, %cond3A : i32
      scf.if %cond3A_38 {
        %add3A_39 = arith.constant 1 : i32
        %add3A_40 = arith.addi %scan3A_24, %add3A_39 : i32
        %sub3A = arith.constant 1 : i32
        %sub3A_41 = arith.subi %sub3A, %rem3A_25 : i32
        %dma_start3A_42 = arith.constant 0 : i32
        %dma_start3A_43 = arith.constant 0 : i32
        %dma_start3A_44 = tpu.memref_slice %arg9[%sub3A_41, %dma_start3A_42, %dma_start3A_43] : memref<2x128x16xf32, #tpu.memory_space<vmem>> -> memref<1x128x16xf32, #tpu.memory_space<vmem>>
        %dma_start3A_45 = tpu.memref_squeeze %dma_start3A_44 : memref<1x128x16xf32, #tpu.memory_space<vmem>> -> memref<128x16xf32, #tpu.memory_space<vmem>>
        %dma_start3A_46 = arith.constant 0 : i32
        %dma_start3A_47 = tpu.memref_slice %arg7[%add3A_40, %dma_start3A_46] : memref<79x128xi32, #tpu.memory_space<vmem>> -> memref<1x128xi32, #tpu.memory_space<vmem>>
        %dma_start3A_48 = tpu.memref_squeeze %dma_start3A_47 : memref<1x128xi32, #tpu.memory_space<vmem>> -> memref<128xi32, #tpu.memory_space<vmem>>
        %dma_start3A_49 = arith.constant 0 : i32
        %dma_start3A_50 = arith.constant 0 : i32
        %dma_start3A_51 = tpu.memref_slice %arg2[%dma_start3A_49, %dma_start3A_50] : memref<10240x16xf32, #tpu.memory_space<hbm>> -> memref<10240x16xf32, #tpu.memory_space<hbm>>
        tpu.enqueue_indirect_dma source(%dma_start3A_51 : memref<10240x16xf32, #tpu.memory_space<hbm>>) target(%dma_start3A_45 : memref<128x16xf32, #tpu.memory_space<vmem>>) offsets(%dma_start3A_48 : memref<128xi32, #tpu.memory_space<vmem>>) semaphore(%arg12 : memref<!tpu.dma_semaphore, #tpu.memory_space<semaphore_mem>>)
      } else {
      }
      "tpu.region"() ({
        %run_scoped3A = tpu.sem_alloc : memref<!tpu.dma_semaphore, #tpu.memory_space<semaphore_mem>>
        %dma_start3A_39 = arith.constant 0 : i32
        %dma_start3A_40 = arith.constant 0 : i32
        %dma_start3A_41 = tpu.memref_slice %arg9[%rem3A_25, %dma_start3A_39, %dma_start3A_40] : memref<2x128x16xf32, #tpu.memory_space<vmem>> -> memref<1x128x16xf32, #tpu.memory_space<vmem>>
        %dma_start3A_42 = tpu.memref_squeeze %dma_start3A_41 : memref<1x128x16xf32, #tpu.memory_space<vmem>> -> memref<128x16xf32, #tpu.memory_space<vmem>>
        %dma_start3A_43 = arith.constant 0 : i32
        %dma_start3A_44 = tpu.memref_slice %arg8[%scan3A_24, %dma_start3A_43] : memref<79x128xi32, #tpu.memory_space<vmem>> -> memref<1x128xi32, #tpu.memory_space<vmem>>
        %dma_start3A_45 = tpu.memref_squeeze %dma_start3A_44 : memref<1x128xi32, #tpu.memory_space<vmem>> -> memref<128xi32, #tpu.memory_space<vmem>>
        %dma_start3A_46 = arith.constant 0 : i32
        %dma_start3A_47 = arith.constant 0 : i32
        %dma_start3A_48 = tpu.memref_slice %arg11[%dma_start3A_46, %dma_start3A_47] : memref<10240x16xf32, #tpu.memory_space<vmem_shared>> -> memref<10240x16xf32, #tpu.memory_space<vmem_shared>>
        tpu.enqueue_indirect_dma source(%dma_start3A_42 : memref<128x16xf32, #tpu.memory_space<vmem>>) target(%dma_start3A_48 : memref<10240x16xf32, #tpu.memory_space<vmem_shared>>) offsets(%dma_start3A_45 : memref<128xi32, #tpu.memory_space<vmem>>) semaphore(%run_scoped3A : memref<!tpu.dma_semaphore, #tpu.memory_space<semaphore_mem>>) {add = true}
        %dma_wait3A_49 = arith.constant 0 : i32
        %dma_wait3A_50 = arith.constant 0 : i32
        %dma_wait3A_51 = tpu.memref_slice %arg9[%rem3A_25, %dma_wait3A_49, %dma_wait3A_50] : memref<2x128x16xf32, #tpu.memory_space<vmem>> -> memref<1x128x16xf32, #tpu.memory_space<vmem>>
        %dma_wait3A_52 = tpu.memref_squeeze %dma_wait3A_51 : memref<1x128x16xf32, #tpu.memory_space<vmem>> -> memref<128x16xf32, #tpu.memory_space<vmem>>
        %dma_wait3A_53 = arith.constant 0 : i32
        %dma_wait3A_54 = tpu.memref_slice %arg8[%scan3A_24, %dma_wait3A_53] : memref<79x128xi32, #tpu.memory_space<vmem>> -> memref<1x128xi32, #tpu.memory_space<vmem>>
        %dma_wait3A_55 = tpu.memref_squeeze %dma_wait3A_54 : memref<1x128xi32, #tpu.memory_space<vmem>> -> memref<128xi32, #tpu.memory_space<vmem>>
        %dma_wait3A_56 = arith.constant 0 : i32
        %dma_wait3A_57 = arith.constant 0 : i32
        %dma_wait3A_58 = tpu.memref_slice %arg11[%dma_wait3A_56, %dma_wait3A_57] : memref<10240x16xf32, #tpu.memory_space<vmem_shared>> -> memref<10240x16xf32, #tpu.memory_space<vmem_shared>>
        tpu.wait_indirect_dma semaphore(%run_scoped3A : memref<!tpu.dma_semaphore, #tpu.memory_space<semaphore_mem>>) src(%dma_wait3A_52 : memref<128x16xf32, #tpu.memory_space<vmem>>) dst(%dma_wait3A_58 : memref<10240x16xf32, #tpu.memory_space<vmem_shared>>)
        tpu.yield
      }) : () -> ()
    }
    %scan3A_18 = arith.constant 79 : i32
    %barrier3A_19 = arith.constant 0 : index
    tpu.barrier barrier_id(%barrier3A_19)
    %mul3A_20 = arith.constant 640 : i32
    %mul3A_21 = arith.muli %arg1, %mul3A_20 : i32
    %mul3A_22 = arith.constant 640 : i32
    %mul3A_23 = arith.muli %arg1, %mul3A_22 : i32
    "tpu.region"() ({
      %run_scoped3A = tpu.sem_alloc : memref<!tpu.dma_semaphore, #tpu.memory_space<semaphore_mem>>
      %dma_start3A_24 = arith.constant 0 : i32
      %dma_start3A_25 = tpu.memref_slice %arg6[%arg0, %mul3A_23, %dma_start3A_24] : memref<2x10240x16xf32, #tpu.memory_space<hbm>> -> memref<1x640x16xf32, #tpu.memory_space<hbm>>
      %dma_start3A_26 = tpu.memref_squeeze %dma_start3A_25 : memref<1x640x16xf32, #tpu.memory_space<hbm>> -> memref<640x16xf32, #tpu.memory_space<hbm>>
      %dma_start3A_27 = arith.constant 0 : i32
      %dma_start3A_28 = tpu.memref_slice %arg11[%mul3A_21, %dma_start3A_27] : memref<10240x16xf32, #tpu.memory_space<vmem_shared>> -> memref<640x16xf32, #tpu.memory_space<vmem_shared>>
      tpu.enqueue_dma source(%dma_start3A_28 : memref<640x16xf32, #tpu.memory_space<vmem_shared>>) target(%dma_start3A_26 : memref<640x16xf32, #tpu.memory_space<hbm>>) target_semaphore(%run_scoped3A : memref<!tpu.dma_semaphore, #tpu.memory_space<semaphore_mem>>)
      %dma_wait3A = arith.constant 0 : i32
      %dma_wait3A_29 = tpu.memref_slice %arg6[%arg0, %mul3A_23, %dma_wait3A] : memref<2x10240x16xf32, #tpu.memory_space<hbm>> -> memref<1x640x16xf32, #tpu.memory_space<hbm>>
      %dma_wait3A_30 = tpu.memref_squeeze %dma_wait3A_29 : memref<1x640x16xf32, #tpu.memory_space<hbm>> -> memref<640x16xf32, #tpu.memory_space<hbm>>
      %dma_wait3A_31 = arith.constant 0 : i32
      %dma_wait3A_32 = tpu.memref_slice %arg11[%mul3A_21, %dma_wait3A_31] : memref<10240x16xf32, #tpu.memory_space<vmem_shared>> -> memref<640x16xf32, #tpu.memory_space<vmem_shared>>
      tpu.wait_dma2 semaphore(%run_scoped3A : memref<!tpu.dma_semaphore, #tpu.memory_space<semaphore_mem>>) src(%dma_wait3A_32 : memref<640x16xf32, #tpu.memory_space<vmem_shared>>) dst(%dma_wait3A_30 : memref<640x16xf32, #tpu.memory_space<hbm>>)
      tpu.yield
    }) : () -> ()
    return
  }
}

module attributes {stable_mosaic.version = 14 : i64} {
  func.func @_tc_prep_body(%arg0: memref<10000x128xf32, #tpu.memory_space<vmem>>, %arg1: memref<1x128xf32, #tpu.memory_space<vmem>>, %arg2: memref<1x128xf32, #tpu.memory_space<vmem>>, %arg3: memref<1x128xf32, #tpu.memory_space<vmem>>, %arg4: memref<1x512xf32, #tpu.memory_space<vmem>>, %arg5: memref<512x16xf32, #tpu.memory_space<vmem>>, %arg6: memref<128x16xf32, #tpu.memory_space<vmem>>, %arg7: memref<10240x1xf32, #tpu.memory_space<vmem>>, %arg8: memref<10240x1xf32, #tpu.memory_space<vmem>>, %arg9: memref<10240x16xf32, #tpu.memory_space<vmem>>, %arg10: memref<10000x1xf32, #tpu.memory_space<vmem>>) attributes {dimension_semantics = [], scalar_prefetch = 0 : i64, scratch_operands = 0 : i64, tpu.core_type = #tpu.core_type<tc>} {
    %get3A = arith.constant 0 : index
    %get3A_0 = arith.constant 0 : index
    %get3A_1 = vector.load %arg0[%get3A, %get3A_0] : memref<10000x128xf32, #tpu.memory_space<vmem>>, vector<10000x128xf32>
    %reduce_sum3A = arith.constant dense<0.000000e+00> : vector<128xf32>
    %reduce_sum3A_2 = vector.multi_reduction <add>, %get3A_1, %reduce_sum3A [0] : vector<10000x128xf32> to vector<128xf32>
    %broadcast_in_dim3A = vector.shape_cast %reduce_sum3A_2 : vector<128xf32> to vector<1x128xf32>
    %div3A = arith.constant 1.000000e+04 : f32
    %div3A_3 = vector.broadcast %div3A : f32 to vector<1x128xf32>
    %div3A_4 = arith.divf %broadcast_in_dim3A, %div3A_3 : vector<1x128xf32>
    %sub3A = vector.broadcast %div3A_4 : vector<1x128xf32> to vector<10000x128xf32>
    %sub3A_5 = arith.subf %get3A_1, %sub3A : vector<10000x128xf32>
    %integer_pow3A = arith.mulf %sub3A_5, %sub3A_5 : vector<10000x128xf32>
    %reduce_sum3A_6 = arith.constant dense<0.000000e+00> : vector<128xf32>
    %reduce_sum3A_7 = vector.multi_reduction <add>, %integer_pow3A, %reduce_sum3A_6 [0] : vector<10000x128xf32> to vector<128xf32>
    %broadcast_in_dim3A_8 = vector.shape_cast %reduce_sum3A_7 : vector<128xf32> to vector<1x128xf32>
    %div3A_9 = arith.constant 1.000000e+04 : f32
    %div3A_10 = vector.broadcast %div3A_9 : f32 to vector<1x128xf32>
    %div3A_11 = arith.divf %broadcast_in_dim3A_8, %div3A_10 : vector<1x128xf32>
    %get3A_12 = arith.constant 0 : index
    %get3A_13 = arith.constant 0 : index
    %get3A_14 = vector.load %arg1[%get3A_12, %get3A_13] : memref<1x128xf32, #tpu.memory_space<vmem>>, vector<1x128xf32>
    %get3A_15 = arith.constant 0 : index
    %get3A_16 = arith.constant 0 : index
    %get3A_17 = vector.load %arg2[%get3A_15, %get3A_16] : memref<1x128xf32, #tpu.memory_space<vmem>>, vector<1x128xf32>
    %mul3A = arith.mulf %get3A_17, %get3A_14 : vector<1x128xf32>
    %mul3A_18 = arith.mulf %get3A_14, %get3A_14 : vector<1x128xf32>
    %mul3A_19 = arith.mulf %mul3A_18, %div3A_11 : vector<1x128xf32>
    %add3A = arith.constant 9.99999974E-6 : f32
    %add3A_20 = vector.broadcast %add3A : f32 to vector<1x128xf32>
    %add3A_21 = arith.addf %mul3A_19, %add3A_20 : vector<1x128xf32>
    %rsqrt3A = math.rsqrt %add3A_21 : vector<1x128xf32>
    %mul3A_22 = arith.mulf %mul3A, %rsqrt3A : vector<1x128xf32>
    %get3A_23 = arith.constant 0 : index
    %get3A_24 = arith.constant 0 : index
    %get3A_25 = vector.load %arg3[%get3A_23, %get3A_24] : memref<1x128xf32, #tpu.memory_space<vmem>>, vector<1x128xf32>
    %mul3A_26 = arith.mulf %mul3A_22, %div3A_4 : vector<1x128xf32>
    %sub3A_27 = arith.subf %get3A_25, %mul3A_26 : vector<1x128xf32>
    %get3A_28 = arith.constant 0 : index
    %get3A_29 = arith.constant 0 : index
    %get3A_30 = vector.load %arg4[%get3A_28, %get3A_29] : memref<1x512xf32, #tpu.memory_space<vmem>>, vector<1x512xf32>
    %get3A_31 = arith.constant 0 : index
    %get3A_32 = arith.constant 0 : index
    %get3A_33 = vector.load %arg5[%get3A_31, %get3A_32] : memref<512x16xf32, #tpu.memory_space<vmem>>, vector<512x16xf32>
    %dot_general3A = arith.constant dense<0.000000e+00> : vector<1x16xf32>
    %dot_general3A_34 = tpu.matmul %get3A_30, %get3A_33, %dot_general3A {dimension_numbers = #tpu.dot_dimension_numbers<[1], [0], [0], [1], [0, 0, 1, 1], [], []>, transpose_lhs_hint = false} : vector<1x512xf32>, vector<512x16xf32>, vector<1x16xf32> -> vector<1x16xf32>
    %get3A_35 = arith.constant 0 : index
    %get3A_36 = arith.constant 0 : index
    %get3A_37 = vector.load %arg6[%get3A_35, %get3A_36] : memref<128x16xf32, #tpu.memory_space<vmem>>, vector<128x16xf32>
    %dot_general3A_38 = arith.constant dense<0.000000e+00> : vector<1x16xf32>
    %dot_general3A_39 = tpu.matmul %sub3A_27, %get3A_37, %dot_general3A_38 {dimension_numbers = #tpu.dot_dimension_numbers<[1], [0], [0], [1], [0, 0, 1, 1], [], []>, transpose_lhs_hint = false} : vector<1x128xf32>, vector<128x16xf32>, vector<1x16xf32> -> vector<1x16xf32>
    %add3A_40 = arith.addf %dot_general3A_34, %dot_general3A_39 : vector<1x16xf32>
    %mul3A_41 = vector.broadcast %mul3A_22 : vector<1x128xf32> to vector<10000x128xf32>
    %mul3A_42 = arith.mulf %get3A_1, %mul3A_41 : vector<10000x128xf32>
    %get3A_43 = arith.constant 0 : index
    %get3A_44 = arith.constant 0 : index
    %get3A_45 = vector.load %arg6[%get3A_43, %get3A_44] : memref<128x16xf32, #tpu.memory_space<vmem>>, vector<128x16xf32>
    %dot_general3A_46 = arith.constant dense<0.000000e+00> : vector<10000x16xf32>
    %dot_general3A_47 = tpu.matmul %mul3A_42, %get3A_45, %dot_general3A_46 {dimension_numbers = #tpu.dot_dimension_numbers<[1], [0], [0], [1], [0, 0, 1, 1], [], []>, transpose_lhs_hint = false} : vector<10000x128xf32>, vector<128x16xf32>, vector<10000x16xf32> -> vector<10000x16xf32>
    %add3A_48 = vector.broadcast %add3A_40 : vector<1x16xf32> to vector<10000x16xf32>
    %add3A_49 = arith.addf %dot_general3A_47, %add3A_48 : vector<10000x16xf32>
    %get3A_50 = arith.constant 0 : index
    %get3A_51 = arith.constant 0 : index
    %get3A_52 = vector.load %arg7[%get3A_50, %get3A_51] : memref<10240x1xf32, #tpu.memory_space<vmem>>, vector<10000x1xf32>
    %get3A_53 = arith.constant 0 : index
    %get3A_54 = arith.constant 0 : index
    %get3A_55 = vector.load %arg8[%get3A_53, %get3A_54] : memref<10240x1xf32, #tpu.memory_space<vmem>>, vector<10000x1xf32>
    %add3A_56 = arith.addf %get3A_52, %get3A_55 : vector<10000x1xf32>
    %add3A_57 = arith.constant 1.000000e+00 : f32
    %add3A_58 = vector.broadcast %add3A_57 : f32 to vector<10000x1xf32>
    %add3A_59 = arith.addf %add3A_56, %add3A_58 : vector<10000x1xf32>
    %rsqrt3A_60 = math.rsqrt %add3A_59 : vector<10000x1xf32>
    %swap3A = arith.constant 0 : index
    %swap3A_61 = arith.constant 0 : index
    %swap3A_62 = vector.load %arg10[%swap3A, %swap3A_61] : memref<10000x1xf32, #tpu.memory_space<vmem>>, vector<10000x1xf32>
    tpu.vector_store %arg10[%swap3A, %swap3A_61], %rsqrt3A_60 {strides = array<i32>} : memref<10000x1xf32, #tpu.memory_space<vmem>>, vector<10000x1xf32>,
    %mul3A_63 = vector.broadcast %rsqrt3A_60 : vector<10000x1xf32> to vector<10000x16xf32>
    %mul3A_64 = arith.mulf %add3A_49, %mul3A_63 : vector<10000x16xf32>
    %swap3A_65 = arith.constant 0 : index
    %swap3A_66 = arith.constant 0 : index
    %swap3A_67 = vector.load %arg9[%swap3A_65, %swap3A_66] : memref<10240x16xf32, #tpu.memory_space<vmem>>, vector<10000x16xf32>
    tpu.vector_store %arg9[%swap3A_65, %swap3A_66], %mul3A_64 {strides = array<i32>} : memref<10240x16xf32, #tpu.memory_space<vmem>>, vector<10000x16xf32>,
    %broadcast_in_dim3A_68 = arith.constant 0.000000e+00 : f32
    %broadcast_in_dim3A_69 = vector.broadcast %broadcast_in_dim3A_68 : f32 to vector<240x16xf32>
    %swap3A_70 = arith.constant 10000 : index
    %swap3A_71 = arith.constant 0 : index
    %swap3A_72 = vector.load %arg9[%swap3A_70, %swap3A_71] : memref<10240x16xf32, #tpu.memory_space<vmem>>, vector<240x16xf32>
    tpu.vector_store %arg9[%swap3A_70, %swap3A_71], %broadcast_in_dim3A_69 {strides = array<i32>} : memref<10240x16xf32, #tpu.memory_space<vmem>>, vector<240x16xf32>,
    return
  }
}

module attributes {stable_mosaic.version = 14 : i64} {
  func.func @_tc_mid_body(%arg0: memref<10240x16xf32, #tpu.memory_space<vmem>>, %arg1: memref<10240x16xf32, #tpu.memory_space<vmem>>, %arg2: memref<10240x16xf32, #tpu.memory_space<vmem>>, %arg3: memref<10000x1xf32, #tpu.memory_space<vmem>>, %arg4: memref<1x16xf32, #tpu.memory_space<vmem>>, %arg5: memref<10240x16xf32, #tpu.memory_space<vmem>>) attributes {dimension_semantics = [], scalar_prefetch = 0 : i64, scratch_operands = 0 : i64, tpu.core_type = #tpu.core_type<tc>} {
    %get3A = arith.constant 0 : index
    %get3A_0 = arith.constant 0 : index
    %get3A_1 = vector.load %arg3[%get3A, %get3A_0] : memref<10000x1xf32, #tpu.memory_space<vmem>>, vector<10000x1xf32>
    %get3A_2 = arith.constant 0 : index
    %get3A_3 = arith.constant 0 : index
    %get3A_4 = vector.load %arg0[%get3A_2, %get3A_3] : memref<10240x16xf32, #tpu.memory_space<vmem>>, vector<10000x16xf32>
    %get3A_5 = arith.constant 0 : index
    %get3A_6 = arith.constant 0 : index
    %get3A_7 = vector.load %arg1[%get3A_5, %get3A_6] : memref<10240x16xf32, #tpu.memory_space<vmem>>, vector<10000x16xf32>
    %add3A = arith.addf %get3A_4, %get3A_7 : vector<10000x16xf32>
    %get3A_8 = arith.constant 0 : index
    %get3A_9 = arith.constant 0 : index
    %get3A_10 = vector.load %arg2[%get3A_8, %get3A_9] : memref<10240x16xf32, #tpu.memory_space<vmem>>, vector<10000x16xf32>
    %add3A_11 = arith.addf %add3A, %get3A_10 : vector<10000x16xf32>
    %mul3A = vector.broadcast %get3A_1 : vector<10000x1xf32> to vector<10000x16xf32>
    %mul3A_12 = arith.mulf %add3A_11, %mul3A : vector<10000x16xf32>
    %get3A_13 = arith.constant 0 : index
    %get3A_14 = arith.constant 0 : index
    %get3A_15 = vector.load %arg4[%get3A_13, %get3A_14] : memref<1x16xf32, #tpu.memory_space<vmem>>, vector<1x16xf32>
    %add3A_16 = vector.broadcast %get3A_15 : vector<1x16xf32> to vector<10000x16xf32>
    %add3A_17 = arith.addf %mul3A_12, %add3A_16 : vector<10000x16xf32>
    %max3A = arith.constant 0.000000e+00 : f32
    %max3A_18 = vector.broadcast %max3A : f32 to vector<10000x16xf32>
    %max3A_19 = arith.maximumf %add3A_17, %max3A_18 : vector<10000x16xf32>
    %mul3A_20 = vector.broadcast %get3A_1 : vector<10000x1xf32> to vector<10000x16xf32>
    %mul3A_21 = arith.mulf %max3A_19, %mul3A_20 : vector<10000x16xf32>
    %swap3A = arith.constant 0 : index
    %swap3A_22 = arith.constant 0 : index
    %swap3A_23 = vector.load %arg5[%swap3A, %swap3A_22] : memref<10240x16xf32, #tpu.memory_space<vmem>>, vector<10000x16xf32>
    tpu.vector_store %arg5[%swap3A, %swap3A_22], %mul3A_21 {strides = array<i32>} : memref<10240x16xf32, #tpu.memory_space<vmem>>, vector<10000x16xf32>,
    %broadcast_in_dim3A = arith.constant 0.000000e+00 : f32
    %broadcast_in_dim3A_24 = vector.broadcast %broadcast_in_dim3A : f32 to vector<240x16xf32>
    %swap3A_25 = arith.constant 10000 : index
    %swap3A_26 = arith.constant 0 : index
    %swap3A_27 = vector.load %arg5[%swap3A_25, %swap3A_26] : memref<10240x16xf32, #tpu.memory_space<vmem>>, vector<240x16xf32>
    tpu.vector_store %arg5[%swap3A_25, %swap3A_26], %broadcast_in_dim3A_24 {strides = array<i32>} : memref<10240x16xf32, #tpu.memory_space<vmem>>, vector<240x16xf32>,
    return
  }
}

module attributes {stable_mosaic.version = 14 : i64} {
  func.func @_tc_final_body(%arg0: memref<10240x16xf32, #tpu.memory_space<vmem>>, %arg1: memref<10240x16xf32, #tpu.memory_space<vmem>>, %arg2: memref<10240x16xf32, #tpu.memory_space<vmem>>, %arg3: memref<10000x1xf32, #tpu.memory_space<vmem>>, %arg4: memref<16x40xf32, #tpu.memory_space<vmem>>, %arg5: memref<1x40xf32, #tpu.memory_space<vmem>>, %arg6: memref<10000x40xf32, #tpu.memory_space<vmem>>) attributes {dimension_semantics = [], scalar_prefetch = 0 : i64, scratch_operands = 0 : i64, tpu.core_type = #tpu.core_type<tc>} {
    %get3A = arith.constant 0 : index
    %get3A_0 = arith.constant 0 : index
    %get3A_1 = vector.load %arg0[%get3A, %get3A_0] : memref<10240x16xf32, #tpu.memory_space<vmem>>, vector<10000x16xf32>
    %get3A_2 = arith.constant 0 : index
    %get3A_3 = arith.constant 0 : index
    %get3A_4 = vector.load %arg1[%get3A_2, %get3A_3] : memref<10240x16xf32, #tpu.memory_space<vmem>>, vector<10000x16xf32>
    %add3A = arith.addf %get3A_1, %get3A_4 : vector<10000x16xf32>
    %get3A_5 = arith.constant 0 : index
    %get3A_6 = arith.constant 0 : index
    %get3A_7 = vector.load %arg2[%get3A_5, %get3A_6] : memref<10240x16xf32, #tpu.memory_space<vmem>>, vector<10000x16xf32>
    %add3A_8 = arith.addf %add3A, %get3A_7 : vector<10000x16xf32>
    %get3A_9 = arith.constant 0 : index
    %get3A_10 = arith.constant 0 : index
    %get3A_11 = vector.load %arg3[%get3A_9, %get3A_10] : memref<10000x1xf32, #tpu.memory_space<vmem>>, vector<10000x1xf32>
    %mul3A = vector.broadcast %get3A_11 : vector<10000x1xf32> to vector<10000x16xf32>
    %mul3A_12 = arith.mulf %add3A_8, %mul3A : vector<10000x16xf32>
    %get3A_13 = arith.constant 0 : index
    %get3A_14 = arith.constant 0 : index
    %get3A_15 = vector.load %arg4[%get3A_13, %get3A_14] : memref<16x40xf32, #tpu.memory_space<vmem>>, vector<16x40xf32>
    %dot_general3A = arith.constant dense<0.000000e+00> : vector<10000x40xf32>
    %dot_general3A_16 = tpu.matmul %mul3A_12, %get3A_15, %dot_general3A {dimension_numbers = #tpu.dot_dimension_numbers<[1], [0], [0], [1], [0, 0, 1, 1], [], []>, transpose_lhs_hint = false} : vector<10000x16xf32>, vector<16x40xf32>, vector<10000x40xf32> -> vector<10000x40xf32>
    %get3A_17 = arith.constant 0 : index
    %get3A_18 = arith.constant 0 : index
    %get3A_19 = vector.load %arg5[%get3A_17, %get3A_18] : memref<1x40xf32, #tpu.memory_space<vmem>>, vector<1x40xf32>
    %add3A_20 = vector.broadcast %get3A_19 : vector<1x40xf32> to vector<10000x40xf32>
    %add3A_21 = arith.addf %dot_general3A_16, %add3A_20 : vector<10000x40xf32>
    %reduce_max3A = arith.constant dense<0xFF800000> : vector<10000xf32>
    %reduce_max3A_22 = vector.multi_reduction <maximumf>, %add3A_21, %reduce_max3A [1] : vector<10000x40xf32> to vector<10000xf32>
    %broadcast_in_dim3A = vector.shape_cast %reduce_max3A_22 : vector<10000xf32> to vector<10000x1xf32>
    %sub3A = vector.broadcast %broadcast_in_dim3A : vector<10000x1xf32> to vector<10000x40xf32>
    %sub3A_23 = arith.subf %add3A_21, %sub3A : vector<10000x40xf32>
    %exp3A = math.exp %sub3A_23 : vector<10000x40xf32>
    %reduce_sum3A = arith.constant dense<0.000000e+00> : vector<10000xf32>
    %reduce_sum3A_24 = vector.multi_reduction <add>, %exp3A, %reduce_sum3A [1] : vector<10000x40xf32> to vector<10000xf32>
    %broadcast_in_dim3A_25 = vector.shape_cast %reduce_sum3A_24 : vector<10000xf32> to vector<10000x1xf32>
    %log3A = math.log %broadcast_in_dim3A_25 : vector<10000x1xf32>
    %sub3A_26 = vector.broadcast %broadcast_in_dim3A : vector<10000x1xf32> to vector<10000x40xf32>
    %sub3A_27 = arith.subf %add3A_21, %sub3A_26 : vector<10000x40xf32>
    %sub3A_28 = vector.broadcast %log3A : vector<10000x1xf32> to vector<10000x40xf32>
    %sub3A_29 = arith.subf %sub3A_27, %sub3A_28 : vector<10000x40xf32>
    %swap3A = arith.constant 0 : index
    %swap3A_30 = arith.constant 0 : index
    %swap3A_31 = vector.load %arg6[%swap3A, %swap3A_30] : memref<10000x40xf32, #tpu.memory_space<vmem>>, vector<10000x40xf32>
    tpu.vector_store %arg6[%swap3A, %swap3A_30], %sub3A_29 {strides = array<i32>} : memref<10000x40xf32, #tpu.memory_space<vmem>>, vector<10000x40xf32>,
    return
  }
}

</mosaic_0001>

<sc_bundles>
// kernel: kernel.11.cloned.1.call-start
scs
__scs_entry_jumppad:
0x0: {  	(pc) =	sbr.rel $0x88, $3  }
0x1: {  	(tag) =	ssettag $0x0;
	lr =	simm.s32 $0x1  }
0x2: {  	[smem:$0x3F98] =	sst lr;
	_ =	strace $0xD0000000  }
0x3: {  	_ = 	snop  }
0x4: {  	_ = 	snop  }
0x5: {  	_ = 	snop  }
0x6: {  	_ = 	snop  }
0x7: {  	_ = 	snop  }
__scs_overlays_trampoline_lowered:
0x8: {  	[smem:$0x3FA7] =	sst s0  }
0x9: {  	[smem:$0x3FA8] =	sst s1  }
0xa: {  	[smem:$0x3FA9] =	sst s2  }
0xb: {  	[smem:$0x3FAA] =	sst s3  }
0xc: {  	[smem:$0x3FAB] =	sst s4  }
0xd: {  	[smem:$0x3FAC] =	sst s5  }
0xe: {  	[smem:$0x3FAD] =	sst s6  }
0xf: {  	[smem:$0x3FAE] =	sst s7  }
0x10: {  	[smem:$0x3FAF] =	sst s8  }
0x11: {  	[smem:$0x3FB0] =	sst s9;
	s0 =	simm.s32 @!p0 $0x0  }
0x12: {  	s1 =	sld [smem:$0x3F96];
	s0 =	simm.s32 @p0 $0x1  }
0x13: {  	[smem:$0x3FB1] =	sst s0;
	s0 =	simm.s32 @!p1 $0x0  }
0x14: {  	s2 =	sld [smem:$0x3F95];
	s0 =	simm.s32 @p1 $0x1  }
0x15: {  	[smem:$0x3FB2] =	sst s0;
	s0 =	simm.s32 @!p2 $0x0  }
0x16: {  	s3 =	sld [smem:$0x3FDB];
	s0 =	simm.s32 @p2 $0x1  }
0x17: {  	s4 =	simm.s32 $0x1BF5;
	[smem:$0x3FB4] =	sst s0  }
0x18: {  	s0 =	sld [smem:$0x3F97];
	_ =	swait.ge [sflag:s4], $0x0  }
0x19: {  	s7 =	sld [smem:$0x3F98]  }
0x1a: {  	s8 =	sadd.s32 $0xFFFFE003, lr  }
0x1b: {  	s9 =	sadd.s32 $0xFFFFFEF7, lr;
	s5 =	simm.s32 $0xFFFFFFFF;
	p2 =	slt.u32 s8, $0xFFFFF086  }
0x1c: {  	p1 =	slt.u32 s9, $0xF7A;
	s5 =	simm.s32 @!p2 $0x0  }
0x1d: {  	s5 =	simm.s32 @p1 $0x1;
	p0 =	seq.s32 s7, s2  }
0x1e: {  	s7 =	smul.u32 @!p0 $0xF7A, s2;
	p2 =	seq.s32 @!p0 s5, $0x0  }
0x1f: {  	s9 =	smul.u32 $0xF7A, s1;
	s8 =	simm.s32 @!p0 $0x1BF5;
	p2 =	por !p2, p0  }
0x20: {  	[sflag:s8] =	ssyncset.s32 @!p0 $0xFFFFF086;
	s6 =	sadd.s32 @!p0 s3, s7;
	s7 =	simm.s32 @!p0 $0x108  }
0x21: {  	s3 =	sadd.s32 s3, s9;
	s6 =	sadd.s32 @!p0 $0x88, s6;
	s7 =	simm.s32 @p2 $0x1082  }
0x22: {  	[simem:s7], [sflag:s8] =	dma.local @!p0 [hbm:s6], $0xF7A  }
0x23: {  	s9 =	sor.u32 $0xD0000000, s2;
	s6 =	simm.s32 $0x108;
	_ =	swait.ge @!p0 [sflag:s8], $0x0  }
0x24: {  	s3 =	sadd.s32 $0x88, s3;
	s6 =	simm.s32 @!p1 $0x1082;
	[sflag:s4] =	ssyncset.s32 $0xFFFFF086  }
0x25: {  	[simem:s6], [sflag:s4] =	dma.local [hbm:s3], $0xF7A  }
0x26: {  	[smem:$0x3F98] =	sst s1;
	(tag) =	ssettag s2;
	_ =	strace s9  }
0x27: {  	s1 =	sld [smem:$0x3FA8]  }
0x28: {  	s2 =	sld [smem:$0x3FA9]  }
0x29: {  	s4 =	sld [smem:$0x3FAB]  }
0x2a: {  	p0 =	seq.s32 s5, $0x0;
	s5 =	sld [smem:$0x3FAC]  }
0x2b: {  	s6 =	sld [smem:$0x3FAD]  }
0x2c: {  	s7 =	sld [smem:$0x3FAE]  }
0x2d: {  	s3 =	simm.s32 $0x108;
	s8 =	sld [smem:$0x3FAF]  }
0x2e: {  	s3 =	simm.s32 @!p0 $0x1082;
	s9 =	sld [smem:$0x3FB0]  }
0x2f: {  	lr =	sadd.s32 s0, s3;
	s0 =	sld [smem:$0x3FA7]  }
0x30: {  	s3 =	sld [smem:$0x3FAA]  }
0x31: {  	[smem:$0x3FB3] =	sst s10  }
0x32: {  	s10 =	sld [smem:$0x3FB1];
	_ =	sdelay $0x3  }
0x33: {  	p0 =	seq.s32 s10, $0x1;
	s10 =	sld [smem:$0x3FB3];
	_ =	sdelay $0x3  }
0x34: {  	[smem:$0x3FB3] =	sst s10  }
0x35: {  	s10 =	sld [smem:$0x3FB2];
	_ =	sdelay $0x3  }
0x36: {  	p1 =	seq.s32 s10, $0x1;
	s10 =	sld [smem:$0x3FB3];
	_ =	sdelay $0x3  }
0x37: {  	[smem:$0x3FB3] =	sst s10  }
0x38: {  	s10 =	sld [smem:$0x3FB4]  }
0x39: {  	_ = 	snop;
	(pc) =	sbr.ind lr, $3  }
0x3a: {  	_ = 	snop  }
0x3b: {  	_ = 	snop  }
0x3c: {  	p2 =	seq.s32 s10, $0x1;
	s10 =	sld [smem:$0x3FB3]  }
0x3d: {  	_ =	shalt  }
0x3e: {  	_ =	shalt  }
0x3f: {  	_ =	shalt  }
0x40: {  	_ =	shalt  }
0x41: {  	_ =	shalt  }
0x42: {  	_ =	shalt  }
0x43: {  	_ =	shalt  }
0x44: {  	_ =	shalt  }
0x45: {  	_ =	shalt  }
0x46: {  	_ =	shalt  }
0x47: {  	_ =	shalt  }
0x48: {  	_ =	shalt  }
0x49: {  	_ =	shalt  }
0x4a: {  	_ =	shalt  }
0x4b: {  	_ =	shalt  }
0x4c: {  	_ =	shalt  }
0x4d: {  	_ =	shalt  }
0x4e: {  	_ =	shalt  }
0x4f: {  	_ =	shalt  }
0x50: {  	_ =	shalt  }
0x51: {  	_ =	shalt  }
0x52: {  	_ =	shalt  }
0x53: {  	_ =	shalt  }
0x54: {  	_ =	shalt  }
0x55: {  	_ =	shalt  }
0x56: {  	_ =	shalt  }
0x57: {  	_ =	shalt  }
0x58: {  	_ =	shalt  }
0x59: {  	_ =	shalt  }
0x5a: {  	_ =	shalt  }
0x5b: {  	_ =	shalt  }
0x5c: {  	_ =	shalt  }
0x5d: {  	_ =	shalt  }
0x5e: {  	_ =	shalt  }
0x5f: {  	_ =	shalt  }
0x60: {  	_ =	shalt  }
0x61: {  	_ =	shalt  }
0x62: {  	_ =	shalt  }
0x63: {  	_ =	shalt  }
0x64: {  	_ =	shalt  }
0x65: {  	_ =	shalt  }
0x66: {  	_ =	shalt  }
0x67: {  	_ =	shalt  }
0x68: {  	_ =	shalt  }
0x69: {  	_ =	shalt  }
0x6a: {  	_ =	shalt  }
0x6b: {  	_ =	shalt  }
0x6c: {  	_ =	shalt  }
0x6d: {  	_ =	shalt  }
0x6e: {  	_ =	shalt  }
0x6f: {  	_ =	shalt  }
0x70: {  	_ =	shalt  }
0x71: {  	_ =	shalt  }
0x72: {  	_ =	shalt  }
0x73: {  	_ =	shalt  }
0x74: {  	_ =	shalt  }
0x75: {  	_ =	shalt  }
0x76: {  	_ =	shalt  }
0x77: {  	_ =	shalt  }
0x78: {  	_ =	shalt  }
0x79: {  	_ =	shalt  }
0x7a: {  	_ =	shalt  }
0x7b: {  	_ =	shalt  }
0x7c: {  	_ =	shalt  }
0x7d: {  	_ =	shalt  }
0x7e: {  	_ =	shalt  }
0x7f: {  	_ =	shalt  }
0x80: {  	_ =	shalt  }
0x81: {  	_ =	shalt  }
0x82: {  	_ =	shalt  }
0x83: {  	_ =	shalt  }
0x84: {  	_ =	shalt  }
0x85: {  	_ =	shalt  }
0x86: {  	_ =	shalt  }
0x87: {  	_ =	shalt  }
.Lfunc_end0:
.L_simem_size_0:
called_computation.1_lowered:
.L_overlay_start_0:
0x88: {  	s2 =	sld [smem:$0x3FD9]  }
0x89: {  	s3 =	sld [smem:$0x3FFE];
	_ =	sdelay $0x1  }
0x8a: {  	s1 =	srdreg.scid  }
0x8b: {  	s0 =	sand.u32 $0x1, s1  }
0x8c: {  	s17 =	sshll.u32 s0, $0xA;
	s2 =	sadd.s32 s3, s2  }
0x8d: {  	s2 =	sadd.s32 s2, s17  }
0x8e: {  	[smem:$0x3FBF] =	sst s2  }
0x8f: {  	_ = 	snop  }
0x90: {  	s2 =	sld [smem:$0x3FD0];
	(tm) =	ssettm $0x1  }
0x91: {  	s18 =	sld [smem:$0x3FFB];
	_ =	sdelay $0x3  }
0x92: {  	_ =	strace s18  }
0x93: {  	s3 =	sld [smem:$0x3FFC];
	_ =	sdelay $0x3  }
0x94: {  	_ =	strace s3  }
0x95: {  	s3 =	sld [smem:$0x3FFD];
	_ =	sdelay $0x3  }
0x96: {  	_ =	strace s3  }
0x97: {  	_ =	strace $0x8FFFFFFF  }
0x98: {  	s19 =	sld [smem:$0x3FDB];
	_ =	sdelay $0x1  }
0x99: {  	s4 =	simm.s32 $_scs_section_size  }
0x9a: {  	s5 =	simm.s32 $_size__tile_overlayer_lowered;
	s6 =	simm.s32 $_tile_overlayer_lowered  }
0x9b: {  	s22 =	simm.s32 $0x1BFF;
	s21 =	sshll.u32 s6, $0x1;
	s3 =	sadd.s32 s4, s19  }
0x9c: {  	s7 =	simm.s32 $0x0;
	s20 =	sshll.u32 s5, $0x1;
	s5 =	sadd.s32 s21, s3  }
0x9d: {  	[timem:s7], [sflag:s22] =	dma.local [hbm:s5], s20  }
0x9e: {  	_ =	swait.ge [sflag:s22], s20  }
0x9f: {  	s4 =	ssub.s32 $0x0, s20;
	[sflag:s22] =	ssyncset.done $0x0  }
0xa0: {  	[sflag:s22] =	ssyncadd.s32 s4;
	_ =	sdelay $0x1  }
0xa1: {  	s23 =	simm.s32 $0x1B8B  }
0xa2: {  	_ =	swait.ge [sflag:s23], $0x1  }
0xa3: {  	[sflag:s23] =	ssyncset.done $0x0  }
0xa4: {  	s25 =	simm.s32 $0x1B8E;
	s24 =	sld [smem:$0x3FFE];
	[sflag:s23] =	ssyncadd.s32 $0xFFFFFFFF  }
0xa5: {  	s26 =	simm.s32 $execute0_lowered;
	[smem:$0x3FD2] =	sst s25  }
0xa6: {  	s5 =	sshll.u32 s26, $0x1;
	_ =	strace $0x80000049;
	[dreg:$0x1] =	wrdreg $0xFFFFFFFF  }
0xa7: {  	s28 =	simm.s32 $_size_execute0_lowered;
	s3 =	sadd.s32 s3, s5;
	[dreg:$0x0] =	wrdreg $0x0  }
0xa8: {  	s5 =	sshll.u32 s28, $0x1;
	[dreg:$0x2] =	wrdreg s3  }
0xa9: {  	[dreg:$0x3] =	wrdreg s5  }
0xaa: {  	[dreg:$0x4] =	wrdreg $0xC0  }
0xab: {  	_ =	task [dreg:s7], $0x5FFFF  }
0xac: {  	[dreg:$0x1] =	wrdreg $0xFFFFFFFF  }
0xad: {  	[dreg:$0x0] =	wrdreg $0x60  }
0xae: {  	[dreg:$0x2] =	wrdreg s24  }
0xaf: {  	[dreg:$0x3] =	wrdreg s2  }
0xb0: {  	[dreg:$0x4] =	wrdreg $0x87000  }
0xb1: {  	[dreg:$0x5] =	wrdreg $0x9  }
0xb2: {  	_ =	task.clear_ibuf [dreg:s7], $0x6FFFF;
	_ =	strace $0x90000049  }
0xb3: {  	s29 =	simm.s32 $0x9;
	_ =	strace $0x8000004B  }
0xb4: {  	_ =	swait.ge [sflag:s29], $0x1  }
0xb5: {  	[sflag:s29] =	ssyncadd.s32 $0xFFFFFFFF  }
0xb6: {  	_ =	strace $0x9000004B  }
0xb7: {  	_ =	sfence  }
0xb8: {  	s30 =	sld [smem:$0x0];
	_ =	sdelay $0x2  }
0xb9: {  	s31 =	sshll.u32 s1, $0xD;
	s1 =	sshrl.u32 s1, $0x2  }
0xba: {  	s3 =	sand.u32 $0x4000, s31;
	s1 =	sadd.s32 s1, s30  }
0xbb: {  	s0 =	sor.u32 s3, s0;
	s1 =	sshll.u32 s1, $0x11  }
0xbc: {  	s0 =	sor.u32 s1, s0  }
0xbd: {  	s0 =	sadd.s32 $0x8F2B, s0  }
0xbe: {  	[sflag:s0] =	ssyncadd.remote.s32 $0x1  }
0xbf: {  	_ =	sfence.sel $0xFFFF  }
0xc0: {  	[dreg:$0x0] =	wrdreg $0xFFFFFFFF;
	(pc) =	sbr.abs _section_cstart, $3  }
0xc1: {  	[dreg:$0x1] =	wrdreg $0xFFFFFFFF  }
0xc2: {  	_ =	task.clear_ibuf [dreg:s7], $0x2FFFF;
	_ =	strace $0x9FFFFFFF  }
0xc3: {  	(tm) =	ssettm $0x7FFFFFFF  }
tec
execute0_lowered:
.L_overlay_start_1:
0x0: {  	(tag) =	ssettag $0x1  }
0x1: {  	s5 =	rddreg [dreg:$0x0]  }
0x2: {  	s0 =	srdreg.scid;
	s9 =	rddreg [dreg:$0x1]  }
0x3: {  	s2 =	rddreg [dreg:$0x2];
	s1 =	stileid.u32  }
0x4: {  	s3 =	simm.s32 $0x0;
	s12 =	simm.s32 $0x5F00;
	s13 =	simm.s32 $0x4F00  }
0x5: {  	s14 =	simm.s32 $0x1;
	s15 =	simm.s32 $0x80;
	s16 =	simm.s32 $0x4E80  }
0x6: {  	s19 =	simm.s32 $0x0;
	s6 =	sand.u32 $0x1, s0;
	s0 =	rddreg [dreg:$0x3]  }
0x7: {  	[smem:$0x7FF] =	sst s3;
	s8 =	smul.u32 $0x2800, s1;
	s17 =	sshll.u32 s1, $0x6  }
0x8: {  	s4 =	sshll.u32 s6, $0x4;
	_ =	strace $0x8000004A;
	s10 =	ssub.s32 $0x2, s6  }
0x9: {  	s11 =	smul.u32 $0x28000, s6;
	s17 =	sor.u32 $0x1C02, s17;
	s4 =	sor.u32 s1, s4  }
0xa: {  	s31 =	sshrl.u32 s10, $0x1;
	s7 =	smul.u32 $0x4F0, s4;
	s4 =	sadd.s32 $0x65400, s5  }
0xb: {  	s10 =	ssub.s32 s10, s31;
	s11 =	sadd.s32 s8, s11;
	s8 =	sadd.s32 s8, s2  }
0xc: {  	s11 =	sshrl.u32 s11, $0x3;
	s10 =	smax.u32 s10, $0x1;
	s18 =	sshrl.u32 s8, $0x3  }
0xd: {  	s7 =	sadd.s32 s7, s5;
	s5 =	sadd.s32 $0x6A400, s5;
	s9 =	sadd.s32 s9, s11  }
0xe: {  	s11 =	simm.s32 $0x2;
	s6 =	sadd.s32 $0x2600, s7;
	s7 =	sadd.s32 $0xC400, s7  }
.LBB2_1:
0xf: {  	[tilespmem:s3], [sflag:$0x2] =	stream.linear.gather [hbm4b:s6+s3], $0x2780, $0x38;
	[tilespmem:$0xAF00] =	vst v63  }
0x10: {  	_ =	swait.ge [sflag:s11], $0x2780  }
0x11: {  	[sflag:s11] =	ssyncset.done $0x0  }
0x12: {  	s20 =	simm.s32 $0x2780;
	[sflag:s11] =	ssyncadd.s32 $0xFFFFD880  }
0x13: {  	[tilespmem:s20], [sflag:$0x2] =	stream.linear.gather [hbm4b:s7+s3], $0x2780, $0x38;
	[tilespmem:$0xAF00] =	vst v63  }
0x14: {  	_ =	swait.ge [sflag:s11], $0x2780  }
0x15: {  	[sflag:s11] =	ssyncset.done $0x0  }
0x16: {  	[sflag:s11] =	ssyncadd.s32 $0xFFFFD880  }
0x17: {  	[tilespmem:s12], [sflag:$0x2] =	stream.linear.gather [hbm4b:s5+s3], $0x2800, $0x38;
	[tilespmem:$0xAF00] =	vst v63  }
0x18: {  	_ =	swait.ge [sflag:s11], $0x2800  }
0x19: {  	[sflag:s11] =	ssyncset.done $0x0  }
0x1a: {  	[sflag:s11] =	ssyncadd.s32 $0xFFFFD800  }
0x1b: {  	[spmem:s8] =	stream.linear.scatter [tilespmem:s12], [sflag:$0x2], $0x2800, $0x38;
	[tilespmem:$0xAF00] =	vst v63  }
0x1c: {  	_ =	swait.ge [sflag:s11], $0x2800  }
0x1d: {  	[sflag:s11] =	ssyncset.done $0x0  }
0x1e: {  	[sflag:s11] =	ssyncadd.s32 $0xFFFFD800  }
0x1f: {  	[bflag:$0x0] =	sbarrier.arrive $0xFFFF  }
0x20: {  	[tilespmem:s13], [sflag:$0x1] =	stream.indirect.gather [hbm4b:s4+s15], $0x10, s3, s15, $0xb8;
	[tilespmem:$0xAF00] =	vst v63  }
0x21: {  	s21 =	simm.s32 $0x0;
	_ =	swait.ge [sflag:s14], $0x800  }
0x22: {  	s21 =	sand.u32 $0x800, s21;
	[sflag:s14] =	ssyncset.done $0x0  }
0x23: {  	s22 =	ssub.s32 $0x5700, s21;
	[sflag:s14] =	ssyncadd.s32 $0xFFFFF800  }
0x24: {  	[tilespmem:s22], [sflag:$0x1] =	stream.indirect.gather [hbm4b:s4+s15], $0x10, s15, s15, $0xb8;
	[tilespmem:$0xAF00] =	vst v63  }
0x25: {  	s21 =	sadd.s32 $0x4F00, s21  }
0x26: {  	[spmem:s2] =	stream.indirect.scatter.add.f32 [tilespmem:s21], [sflag:$0x2], $0x10, s20, s15, $0xb8;
	[tilespmem:$0xAF00] =	vst v63  }
0x27: {  	_ =	swait.ge [sflag:s11], $0x800  }
0x28: {  	s22 =	simm.s32 $0x80;
	s21 =	simm.s32 $0x1;
	[sflag:s11] =	ssyncset.done $0x0  }
.LBB2_2:
0x29: {  	[sflag:s11] =	ssyncadd.s32 $0xFFFFF800;
	s20 =	sadd.s32 $0x80, s20;
	s22 =	sadd.s32 $0x80, s22  }
0x2a: {  	p0 =	sne.s32 s21, $0x4D;
	s23 =	smov.u32 s21;
	s21 =	sadd.s32 $0x1, s21  }
0x2b: {  	s23 =	sshll.u32 s23, $0xB;
	_ =	swait.ge [sflag:s14], $0x800  }
0x2c: {  	s23 =	sand.u32 $0x800, s23;
	[sflag:s14] =	ssyncset.done $0x0  }
0x2d: {  	s24 =	ssub.s32 $0x5700, s23;
	[sflag:s14] =	ssyncadd.s32 $0xFFFFF800  }
0x2e: {  	[tilespmem:s24], [sflag:$0x1] =	stream.indirect.gather [hbm4b:s4+s15], $0x10, s22, s15, $0xb8;
	[tilespmem:$0xAF00] =	vst v63  }
.Ltmp0:
0x2f: {  	_ = 	snop;
	(pc) =	sbr.rel @p0 .LBB2_2-.Ltmp0, $4  }
0x30: {  	s23 =	sadd.s32 $0x4F00, s23  }
0x31: {  	[spmem:s2] =	stream.indirect.scatter.add.f32 [tilespmem:s23], [sflag:$0x2], $0x10, s20, s15, $0xb8;
	[tilespmem:$0xAF00] =	vst v63  }
0x32: {  	_ =	swait.ge [sflag:s11], $0x800  }
0x33: {  	[sflag:s11] =	ssyncset.done $0x0  }
0x34: {  	[sflag:s11] =	ssyncadd.s32 $0xFFFFF800  }
0x35: {  	_ =	swait.ge [sflag:s14], $0x800  }
0x36: {  	[sflag:s14] =	ssyncset.done $0x0  }
0x37: {  	[sflag:s14] =	ssyncadd.s32 $0xFFFFF800  }
0x38: {  	[spmem:s2] =	stream.indirect.scatter.add.f32 [tilespmem:s13], [sflag:$0x2], $0x10, s16, s15, $0xb8;
	[tilespmem:$0xAF00] =	vst v63  }
0x39: {  	_ =	swait.ge [sflag:s11], $0x800  }
0x3a: {  	s19 =	sadd.s32 $0x1, s19;
	[sflag:s11] =	ssyncset.done $0x0  }
0x3b: {  	p0 =	sne.s32 s19, s10;
	[sflag:s11] =	ssyncadd.s32 $0xFFFFF800  }
.Ltmp1:
0x3c: {  	[bflag:$0x0] =	sbarrier.arrive $0xFFFF;
	(pc) =	sbr.rel @p0 .LBB2_1-.Ltmp1, $4  }
0x3d: {  	[hbm:s9], [sflag:s17] =	dma.local [spmem:s18], $0x500  }
0x3e: {  	_ =	swait.ge [sflag:s11], $0x500  }
0x3f: {  	[sflag:s11] =	ssyncset.done $0x0  }
0x40: {  	[sflag:s11] =	ssyncadd.s32 $0xFFFFFB00  }
0x41: {  	_ =	sfence.sel $0x180000  }
0x42: {  	[bflag:$0x0] =	sbarrier.arrive $0xFFFF  }
0x43: {  	p0 =	sne.s32 s1, $0x0;
	_ =	strace $0x9000004A  }
0x44: {  	s0 =	sadd.s32 @!p0 $0x100000, s0;
	[bflag:$0x2] =	sbarrier.arrive $0xFFFF  }
0x45: {  	[sflag:s0] =	ssyncadd.tile.s32 @!p0 $0x1;
	_ =	shalt  }
.Lfunc_end2:
_tile_overlayer_lowered:
.L_overlay_start_2:
0x46: {  	(tag) =	ssettag $0x2  }
0x47: {  	s0 =	rddreg [dreg:$0x0];
	s2 =	stileid.u32  }
0x48: {  	s1 =	rddreg [dreg:$0x1];
	p0 =	sne.s32 s2, $0x0  }
0x49: {  	s3 =	rddreg [dreg:$0x2];
	[bflag:$0x3] =	sbarrier.arrive $0xFFFF;
	s2 =	simm.s32 @!p0 $0x1C02  }
0x4a: {  	[timem:s3], [sflag:s2] =	dma.local @!p0 [hbm:s0], s1  }
0x4b: {  	s0 =	simm.s32 @!p0 $0x2  }
0x4c: {  	_ =	swait.ge @!p0 [sflag:s0], s1  }
0x4d: {  	s1 =	ssub.s32 @!p0 $0x0, s1;
	[sflag:s0] =	ssyncset.done @!p0 $0x0  }
0x4e: {  	[sflag:s0] =	ssyncadd.s32 @!p0 s1  }
0x4f: {  	[bflag:$0x3] =	sbarrier.arrive $0xFFFF  }
0x50: {  	_ =	shalt  }

// kernel: kernel.14.cloned.1.call-start
scs
__scs_entry_jumppad:
0x0: {  	(pc) =	sbr.rel $0x88, $3  }
0x1: {  	(tag) =	ssettag $0x0;
	lr =	simm.s32 $0x1  }
0x2: {  	[smem:$0x3F98] =	sst lr;
	_ =	strace $0xD0000000  }
0x3: {  	_ = 	snop  }
0x4: {  	_ = 	snop  }
0x5: {  	_ = 	snop  }
0x6: {  	_ = 	snop  }
0x7: {  	_ = 	snop  }
__scs_overlays_trampoline_lowered:
0x8: {  	[smem:$0x3FA7] =	sst s0  }
0x9: {  	[smem:$0x3FA8] =	sst s1  }
0xa: {  	[smem:$0x3FA9] =	sst s2  }
0xb: {  	[smem:$0x3FAA] =	sst s3  }
0xc: {  	[smem:$0x3FAB] =	sst s4  }
0xd: {  	[smem:$0x3FAC] =	sst s5  }
0xe: {  	[smem:$0x3FAD] =	sst s6  }
0xf: {  	[smem:$0x3FAE] =	sst s7  }
0x10: {  	[smem:$0x3FAF] =	sst s8  }
0x11: {  	[smem:$0x3FB0] =	sst s9;
	s0 =	simm.s32 @!p0 $0x0  }
0x12: {  	s1 =	sld [smem:$0x3F96];
	s0 =	simm.s32 @p0 $0x1  }
0x13: {  	[smem:$0x3FB1] =	sst s0;
	s0 =	simm.s32 @!p1 $0x0  }
0x14: {  	s2 =	sld [smem:$0x3F95];
	s0 =	simm.s32 @p1 $0x1  }
0x15: {  	[smem:$0x3FB2] =	sst s0;
	s0 =	simm.s32 @!p2 $0x0  }
0x16: {  	s3 =	sld [smem:$0x3FDB];
	s0 =	simm.s32 @p2 $0x1  }
0x17: {  	s4 =	simm.s32 $0x1BF5;
	[smem:$0x3FB4] =	sst s0  }
0x18: {  	s0 =	sld [smem:$0x3F97];
	_ =	swait.ge [sflag:s4], $0x0  }
0x19: {  	s7 =	sld [smem:$0x3F98]  }
0x1a: {  	s8 =	sadd.s32 $0xFFFFE003, lr  }
0x1b: {  	s9 =	sadd.s32 $0xFFFFFEF7, lr;
	s5 =	simm.s32 $0xFFFFFFFF;
	p2 =	slt.u32 s8, $0xFFFFF086  }
0x1c: {  	p1 =	slt.u32 s9, $0xF7A;
	s5 =	simm.s32 @!p2 $0x0  }
0x1d: {  	s5 =	simm.s32 @p1 $0x1;
	p0 =	seq.s32 s7, s2  }
0x1e: {  	s7 =	smul.u32 @!p0 $0xF7A, s2;
	p2 =	seq.s32 @!p0 s5, $0x0  }
0x1f: {  	s9 =	smul.u32 $0xF7A, s1;
	s8 =	simm.s32 @!p0 $0x1BF5;
	p2 =	por !p2, p0  }
0x20: {  	[sflag:s8] =	ssyncset.s32 @!p0 $0xFFFFF086;
	s6 =	sadd.s32 @!p0 s3, s7;
	s7 =	simm.s32 @!p0 $0x108  }
0x21: {  	s3 =	sadd.s32 s3, s9;
	s6 =	sadd.s32 @!p0 $0x88, s6;
	s7 =	simm.s32 @p2 $0x1082  }
0x22: {  	[simem:s7], [sflag:s8] =	dma.local @!p0 [hbm:s6], $0xF7A  }
0x23: {  	s9 =	sor.u32 $0xD0000000, s2;
	s6 =	simm.s32 $0x108;
	_ =	swait.ge @!p0 [sflag:s8], $0x0  }
0x24: {  	s3 =	sadd.s32 $0x88, s3;
	s6 =	simm.s32 @!p1 $0x1082;
	[sflag:s4] =	ssyncset.s32 $0xFFFFF086  }
0x25: {  	[simem:s6], [sflag:s4] =	dma.local [hbm:s3], $0xF7A  }
0x26: {  	[smem:$0x3F98] =	sst s1;
	(tag) =	ssettag s2;
	_ =	strace s9  }
0x27: {  	s1 =	sld [smem:$0x3FA8]  }
0x28: {  	s2 =	sld [smem:$0x3FA9]  }
0x29: {  	s4 =	sld [smem:$0x3FAB]  }
0x2a: {  	p0 =	seq.s32 s5, $0x0;
	s5 =	sld [smem:$0x3FAC]  }
0x2b: {  	s6 =	sld [smem:$0x3FAD]  }
0x2c: {  	s7 =	sld [smem:$0x3FAE]  }
0x2d: {  	s3 =	simm.s32 $0x108;
	s8 =	sld [smem:$0x3FAF]  }
0x2e: {  	s3 =	simm.s32 @!p0 $0x1082;
	s9 =	sld [smem:$0x3FB0]  }
0x2f: {  	lr =	sadd.s32 s0, s3;
	s0 =	sld [smem:$0x3FA7]  }
0x30: {  	s3 =	sld [smem:$0x3FAA]  }
0x31: {  	[smem:$0x3FB3] =	sst s10  }
0x32: {  	s10 =	sld [smem:$0x3FB1];
	_ =	sdelay $0x3  }
0x33: {  	p0 =	seq.s32 s10, $0x1;
	s10 =	sld [smem:$0x3FB3];
	_ =	sdelay $0x3  }
0x34: {  	[smem:$0x3FB3] =	sst s10  }
0x35: {  	s10 =	sld [smem:$0x3FB2];
	_ =	sdelay $0x3  }
0x36: {  	p1 =	seq.s32 s10, $0x1;
	s10 =	sld [smem:$0x3FB3];
	_ =	sdelay $0x3  }
0x37: {  	[smem:$0x3FB3] =	sst s10  }
0x38: {  	s10 =	sld [smem:$0x3FB4]  }
0x39: {  	_ = 	snop;
	(pc) =	sbr.ind lr, $3  }
0x3a: {  	_ = 	snop  }
0x3b: {  	_ = 	snop  }
0x3c: {  	p2 =	seq.s32 s10, $0x1;
	s10 =	sld [smem:$0x3FB3]  }
0x3d: {  	_ =	shalt  }
0x3e: {  	_ =	shalt  }
0x3f: {  	_ =	shalt  }
0x40: {  	_ =	shalt  }
0x41: {  	_ =	shalt  }
0x42: {  	_ =	shalt  }
0x43: {  	_ =	shalt  }
0x44: {  	_ =	shalt  }
0x45: {  	_ =	shalt  }
0x46: {  	_ =	shalt  }
0x47: {  	_ =	shalt  }
0x48: {  	_ =	shalt  }
0x49: {  	_ =	shalt  }
0x4a: {  	_ =	shalt  }
0x4b: {  	_ =	shalt  }
0x4c: {  	_ =	shalt  }
0x4d: {  	_ =	shalt  }
0x4e: {  	_ =	shalt  }
0x4f: {  	_ =	shalt  }
0x50: {  	_ =	shalt  }
0x51: {  	_ =	shalt  }
0x52: {  	_ =	shalt  }
0x53: {  	_ =	shalt  }
0x54: {  	_ =	shalt  }
0x55: {  	_ =	shalt  }
0x56: {  	_ =	shalt  }
0x57: {  	_ =	shalt  }
0x58: {  	_ =	shalt  }
0x59: {  	_ =	shalt  }
0x5a: {  	_ =	shalt  }
0x5b: {  	_ =	shalt  }
0x5c: {  	_ =	shalt  }
0x5d: {  	_ =	shalt  }
0x5e: {  	_ =	shalt  }
0x5f: {  	_ =	shalt  }
0x60: {  	_ =	shalt  }
0x61: {  	_ =	shalt  }
0x62: {  	_ =	shalt  }
0x63: {  	_ =	shalt  }
0x64: {  	_ =	shalt  }
0x65: {  	_ =	shalt  }
0x66: {  	_ =	shalt  }
0x67: {  	_ =	shalt  }
0x68: {  	_ =	shalt  }
0x69: {  	_ =	shalt  }
0x6a: {  	_ =	shalt  }
0x6b: {  	_ =	shalt  }
0x6c: {  	_ =	shalt  }
0x6d: {  	_ =	shalt  }
0x6e: {  	_ =	shalt  }
0x6f: {  	_ =	shalt  }
0x70: {  	_ =	shalt  }
0x71: {  	_ =	shalt  }
0x72: {  	_ =	shalt  }
0x73: {  	_ =	shalt  }
0x74: {  	_ =	shalt  }
0x75: {  	_ =	shalt  }
0x76: {  	_ =	shalt  }
0x77: {  	_ =	shalt  }
0x78: {  	_ =	shalt  }
0x79: {  	_ =	shalt  }
0x7a: {  	_ =	shalt  }
0x7b: {  	_ =	shalt  }
0x7c: {  	_ =	shalt  }
0x7d: {  	_ =	shalt  }
0x7e: {  	_ =	shalt  }
0x7f: {  	_ =	shalt  }
0x80: {  	_ =	shalt  }
0x81: {  	_ =	shalt  }
0x82: {  	_ =	shalt  }
0x83: {  	_ =	shalt  }
0x84: {  	_ =	shalt  }
0x85: {  	_ =	shalt  }
0x86: {  	_ =	shalt  }
0x87: {  	_ =	shalt  }
.Lfunc_end0:
.L_simem_size_0:
called_computation.2_lowered:
.L_overlay_start_0:
0x88: {  	s2 =	sld [smem:$0x3FD9]  }
0x89: {  	s3 =	sld [smem:$0x3FFE];
	_ =	sdelay $0x1  }
0x8a: {  	s1 =	srdreg.scid  }
0x8b: {  	s0 =	sand.u32 $0x1, s1  }
0x8c: {  	s17 =	sshll.u32 s0, $0xA;
	s2 =	sadd.s32 s3, s2  }
0x8d: {  	s2 =	sadd.s32 s2, s17  }
0x8e: {  	[smem:$0x3FBF] =	sst s2  }
0x8f: {  	_ = 	snop  }
0x90: {  	s2 =	sld [smem:$0x3FD0];
	(tm) =	ssettm $0x1  }
0x91: {  	s18 =	sld [smem:$0x3FFB];
	_ =	sdelay $0x3  }
0x92: {  	_ =	strace s18  }
0x93: {  	s3 =	sld [smem:$0x3FFC];
	_ =	sdelay $0x3  }
0x94: {  	_ =	strace s3  }
0x95: {  	s3 =	sld [smem:$0x3FFD];
	_ =	sdelay $0x3  }
0x96: {  	_ =	strace s3  }
0x97: {  	_ =	strace $0x8FFFFFFF  }
0x98: {  	s19 =	sld [smem:$0x3FDB];
	_ =	sdelay $0x1  }
0x99: {  	s4 =	simm.s32 $_scs_section_size  }
0x9a: {  	s5 =	simm.s32 $_size__tile_overlayer_lowered;
	s6 =	simm.s32 $_tile_overlayer_lowered  }
0x9b: {  	s22 =	simm.s32 $0x1BFF;
	s21 =	sshll.u32 s6, $0x1;
	s3 =	sadd.s32 s4, s19  }
0x9c: {  	s7 =	simm.s32 $0x0;
	s20 =	sshll.u32 s5, $0x1;
	s5 =	sadd.s32 s21, s3  }
0x9d: {  	[timem:s7], [sflag:s22] =	dma.local [hbm:s5], s20  }
0x9e: {  	_ =	swait.ge [sflag:s22], s20  }
0x9f: {  	s4 =	ssub.s32 $0x0, s20;
	[sflag:s22] =	ssyncset.done $0x0  }
0xa0: {  	[sflag:s22] =	ssyncadd.s32 s4;
	_ =	sdelay $0x1  }
0xa1: {  	s23 =	simm.s32 $0x1B8B  }
0xa2: {  	_ =	swait.ge [sflag:s23], $0x1  }
0xa3: {  	[sflag:s23] =	ssyncset.done $0x0  }
0xa4: {  	s25 =	simm.s32 $0x1B8E;
	s24 =	sld [smem:$0x3FFE];
	[sflag:s23] =	ssyncadd.s32 $0xFFFFFFFF  }
0xa5: {  	s26 =	simm.s32 $execute0_lowered;
	[smem:$0x3FD2] =	sst s25  }
0xa6: {  	s5 =	sshll.u32 s26, $0x1;
	_ =	strace $0x8000004C;
	[dreg:$0x1] =	wrdreg $0xFFFFFFFF  }
0xa7: {  	s28 =	simm.s32 $_size_execute0_lowered;
	s3 =	sadd.s32 s3, s5;
	[dreg:$0x0] =	wrdreg $0x0  }
0xa8: {  	s5 =	sshll.u32 s28, $0x1;
	[dreg:$0x2] =	wrdreg s3  }
0xa9: {  	[dreg:$0x3] =	wrdreg s5  }
0xaa: {  	[dreg:$0x4] =	wrdreg $0xC0  }
0xab: {  	_ =	task [dreg:s7], $0x5FFFF  }
0xac: {  	[dreg:$0x1] =	wrdreg $0xFFFFFFFF  }
0xad: {  	[dreg:$0x0] =	wrdreg $0x60  }
0xae: {  	[dreg:$0x2] =	wrdreg s24  }
0xaf: {  	[dreg:$0x3] =	wrdreg s2  }
0xb0: {  	[dreg:$0x4] =	wrdreg $0x87000  }
0xb1: {  	[dreg:$0x5] =	wrdreg $0x9  }
0xb2: {  	_ =	task.clear_ibuf [dreg:s7], $0x6FFFF;
	_ =	strace $0x9000004C  }
0xb3: {  	s29 =	simm.s32 $0x9;
	_ =	strace $0x8000004E  }
0xb4: {  	_ =	swait.ge [sflag:s29], $0x1  }
0xb5: {  	[sflag:s29] =	ssyncadd.s32 $0xFFFFFFFF  }
0xb6: {  	_ =	strace $0x9000004E  }
0xb7: {  	_ =	sfence  }
0xb8: {  	s30 =	sld [smem:$0x0];
	_ =	sdelay $0x2  }
0xb9: {  	s31 =	sshll.u32 s1, $0xD;
	s1 =	sshrl.u32 s1, $0x2  }
0xba: {  	s3 =	sand.u32 $0x4000, s31;
	s1 =	sadd.s32 s1, s30  }
0xbb: {  	s0 =	sor.u32 s3, s0;
	s1 =	sshll.u32 s1, $0x11  }
0xbc: {  	s0 =	sor.u32 s1, s0  }
0xbd: {  	s0 =	sadd.s32 $0x8F2B, s0  }
0xbe: {  	[sflag:s0] =	ssyncadd.remote.s32 $0x1  }
0xbf: {  	_ =	sfence.sel $0xFFFF  }
0xc0: {  	[dreg:$0x0] =	wrdreg $0xFFFFFFFF;
	(pc) =	sbr.abs _section_cstart, $3  }
0xc1: {  	[dreg:$0x1] =	wrdreg $0xFFFFFFFF  }
0xc2: {  	_ =	task.clear_ibuf [dreg:s7], $0x2FFFF;
	_ =	strace $0x9FFFFFFF  }
0xc3: {  	(tm) =	ssettm $0x7FFFFFFF  }
tec
execute0_lowered:
.L_overlay_start_1:
0x0: {  	(tag) =	ssettag $0x1  }
0x1: {  	s5 =	rddreg [dreg:$0x0]  }
0x2: {  	s0 =	srdreg.scid;
	s9 =	rddreg [dreg:$0x1]  }
0x3: {  	s2 =	rddreg [dreg:$0x2];
	s1 =	stileid.u32  }
0x4: {  	s3 =	simm.s32 $0x0;
	s12 =	simm.s32 $0x5F00;
	s13 =	simm.s32 $0x4F00  }
0x5: {  	s14 =	simm.s32 $0x1;
	s15 =	simm.s32 $0x80;
	s16 =	simm.s32 $0x4E80  }
0x6: {  	s19 =	simm.s32 $0x0;
	s6 =	sand.u32 $0x1, s0;
	s0 =	rddreg [dreg:$0x3]  }
0x7: {  	[smem:$0x7FF] =	sst s3;
	s8 =	smul.u32 $0x2800, s1;
	s17 =	sshll.u32 s1, $0x6  }
0x8: {  	s4 =	sshll.u32 s6, $0x4;
	_ =	strace $0x8000004D;
	s10 =	ssub.s32 $0x2, s6  }
0x9: {  	s11 =	smul.u32 $0x28000, s6;
	s17 =	sor.u32 $0x1C02, s17;
	s4 =	sor.u32 s1, s4  }
0xa: {  	s31 =	sshrl.u32 s10, $0x1;
	s7 =	smul.u32 $0x4F0, s4;
	s4 =	sadd.s32 $0x65400, s5  }
0xb: {  	s10 =	ssub.s32 s10, s31;
	s11 =	sadd.s32 s8, s11;
	s8 =	sadd.s32 s8, s2  }
0xc: {  	s11 =	sshrl.u32 s11, $0x3;
	s10 =	smax.u32 s10, $0x1;
	s18 =	sshrl.u32 s8, $0x3  }
0xd: {  	s7 =	sadd.s32 s7, s5;
	s5 =	sadd.s32 $0x6A400, s5;
	s9 =	sadd.s32 s9, s11  }
0xe: {  	s11 =	simm.s32 $0x2;
	s6 =	sadd.s32 $0x2600, s7;
	s7 =	sadd.s32 $0xC400, s7  }
.LBB2_1:
0xf: {  	[tilespmem:s3], [sflag:$0x2] =	stream.linear.gather [hbm4b:s6+s3], $0x2780, $0x38;
	[tilespmem:$0xAF00] =	vst v63  }
0x10: {  	_ =	swait.ge [sflag:s11], $0x2780  }
0x11: {  	[sflag:s11] =	ssyncset.done $0x0  }
0x12: {  	s20 =	simm.s32 $0x2780;
	[sflag:s11] =	ssyncadd.s32 $0xFFFFD880  }
0x13: {  	[tilespmem:s20], [sflag:$0x2] =	stream.linear.gather [hbm4b:s7+s3], $0x2780, $0x38;
	[tilespmem:$0xAF00] =	vst v63  }
0x14: {  	_ =	swait.ge [sflag:s11], $0x2780  }
0x15: {  	[sflag:s11] =	ssyncset.done $0x0  }
0x16: {  	[sflag:s11] =	ssyncadd.s32 $0xFFFFD880  }
0x17: {  	[tilespmem:s12], [sflag:$0x2] =	stream.linear.gather [hbm4b:s5+s3], $0x2800, $0x38;
	[tilespmem:$0xAF00] =	vst v63  }
0x18: {  	_ =	swait.ge [sflag:s11], $0x2800  }
0x19: {  	[sflag:s11] =	ssyncset.done $0x0  }
0x1a: {  	[sflag:s11] =	ssyncadd.s32 $0xFFFFD800  }
0x1b: {  	[spmem:s8] =	stream.linear.scatter [tilespmem:s12], [sflag:$0x2], $0x2800, $0x38;
	[tilespmem:$0xAF00] =	vst v63  }
0x1c: {  	_ =	swait.ge [sflag:s11], $0x2800  }
0x1d: {  	[sflag:s11] =	ssyncset.done $0x0  }
0x1e: {  	[sflag:s11] =	ssyncadd.s32 $0xFFFFD800  }
0x1f: {  	[bflag:$0x0] =	sbarrier.arrive $0xFFFF  }
0x20: {  	[tilespmem:s13], [sflag:$0x1] =	stream.indirect.gather [hbm4b:s4+s15], $0x10, s3, s15, $0xb8;
	[tilespmem:$0xAF00] =	vst v63  }
0x21: {  	s21 =	simm.s32 $0x0;
	_ =	swait.ge [sflag:s14], $0x800  }
0x22: {  	s21 =	sand.u32 $0x800, s21;
	[sflag:s14] =	ssyncset.done $0x0  }
0x23: {  	s22 =	ssub.s32 $0x5700, s21;
	[sflag:s14] =	ssyncadd.s32 $0xFFFFF800  }
0x24: {  	[tilespmem:s22], [sflag:$0x1] =	stream.indirect.gather [hbm4b:s4+s15], $0x10, s15, s15, $0xb8;
	[tilespmem:$0xAF00] =	vst v63  }
0x25: {  	s21 =	sadd.s32 $0x4F00, s21  }
0x26: {  	[spmem:s2] =	stream.indirect.scatter.add.f32 [tilespmem:s21], [sflag:$0x2], $0x10, s20, s15, $0xb8;
	[tilespmem:$0xAF00] =	vst v63  }
0x27: {  	_ =	swait.ge [sflag:s11], $0x800  }
0x28: {  	s22 =	simm.s32 $0x80;
	s21 =	simm.s32 $0x1;
	[sflag:s11] =	ssyncset.done $0x0  }
.LBB2_2:
0x29: {  	[sflag:s11] =	ssyncadd.s32 $0xFFFFF800;
	s20 =	sadd.s32 $0x80, s20;
	s22 =	sadd.s32 $0x80, s22  }
0x2a: {  	p0 =	sne.s32 s21, $0x4D;
	s23 =	smov.u32 s21;
	s21 =	sadd.s32 $0x1, s21  }
0x2b: {  	s23 =	sshll.u32 s23, $0xB;
	_ =	swait.ge [sflag:s14], $0x800  }
0x2c: {  	s23 =	sand.u32 $0x800, s23;
	[sflag:s14] =	ssyncset.done $0x0  }
0x2d: {  	s24 =	ssub.s32 $0x5700, s23;
	[sflag:s14] =	ssyncadd.s32 $0xFFFFF800  }
0x2e: {  	[tilespmem:s24], [sflag:$0x1] =	stream.indirect.gather [hbm4b:s4+s15], $0x10, s22, s15, $0xb8;
	[tilespmem:$0xAF00] =	vst v63  }
.Ltmp0:
0x2f: {  	_ = 	snop;
	(pc) =	sbr.rel @p0 .LBB2_2-.Ltmp0, $4  }
0x30: {  	s23 =	sadd.s32 $0x4F00, s23  }
0x31: {  	[spmem:s2] =	stream.indirect.scatter.add.f32 [tilespmem:s23], [sflag:$0x2], $0x10, s20, s15, $0xb8;
	[tilespmem:$0xAF00] =	vst v63  }
0x32: {  	_ =	swait.ge [sflag:s11], $0x800  }
0x33: {  	[sflag:s11] =	ssyncset.done $0x0  }
0x34: {  	[sflag:s11] =	ssyncadd.s32 $0xFFFFF800  }
0x35: {  	_ =	swait.ge [sflag:s14], $0x800  }
0x36: {  	[sflag:s14] =	ssyncset.done $0x0  }
0x37: {  	[sflag:s14] =	ssyncadd.s32 $0xFFFFF800  }
0x38: {  	[spmem:s2] =	stream.indirect.scatter.add.f32 [tilespmem:s13], [sflag:$0x2], $0x10, s16, s15, $0xb8;
	[tilespmem:$0xAF00] =	vst v63  }
0x39: {  	_ =	swait.ge [sflag:s11], $0x800  }
0x3a: {  	s19 =	sadd.s32 $0x1, s19;
	[sflag:s11] =	ssyncset.done $0x0  }
0x3b: {  	p0 =	sne.s32 s19, s10;
	[sflag:s11] =	ssyncadd.s32 $0xFFFFF800  }
.Ltmp1:
0x3c: {  	[bflag:$0x0] =	sbarrier.arrive $0xFFFF;
	(pc) =	sbr.rel @p0 .LBB2_1-.Ltmp1, $4  }
0x3d: {  	[hbm:s9], [sflag:s17] =	dma.local [spmem:s18], $0x500  }
0x3e: {  	_ =	swait.ge [sflag:s11], $0x500  }
0x3f: {  	[sflag:s11] =	ssyncset.done $0x0  }
0x40: {  	[sflag:s11] =	ssyncadd.s32 $0xFFFFFB00  }
0x41: {  	_ =	sfence.sel $0x180000  }
0x42: {  	[bflag:$0x0] =	sbarrier.arrive $0xFFFF  }
0x43: {  	p0 =	sne.s32 s1, $0x0;
	_ =	strace $0x9000004D  }
0x44: {  	s0 =	sadd.s32 @!p0 $0x100000, s0;
	[bflag:$0x2] =	sbarrier.arrive $0xFFFF  }
0x45: {  	[sflag:s0] =	ssyncadd.tile.s32 @!p0 $0x1;
	_ =	shalt  }
.Lfunc_end2:
_tile_overlayer_lowered:
.L_overlay_start_2:
0x46: {  	(tag) =	ssettag $0x2  }
0x47: {  	s0 =	rddreg [dreg:$0x0];
	s2 =	stileid.u32  }
0x48: {  	s1 =	rddreg [dreg:$0x1];
	p0 =	sne.s32 s2, $0x0  }
0x49: {  	s3 =	rddreg [dreg:$0x2];
	[bflag:$0x3] =	sbarrier.arrive $0xFFFF;
	s2 =	simm.s32 @!p0 $0x1C02  }
0x4a: {  	[timem:s3], [sflag:s2] =	dma.local @!p0 [hbm:s0], s1  }
0x4b: {  	s0 =	simm.s32 @!p0 $0x2  }
0x4c: {  	_ =	swait.ge @!p0 [sflag:s0], s1  }
0x4d: {  	s1 =	ssub.s32 @!p0 $0x0, s1;
	[sflag:s0] =	ssyncset.done @!p0 $0x0  }
0x4e: {  	[sflag:s0] =	ssyncadd.s32 @!p0 s1  }
0x4f: {  	[bflag:$0x3] =	sbarrier.arrive $0xFFFF  }
0x50: {  	_ =	shalt  }

// kernel: kernel.8.cloned.1.call-start
scs
__scs_entry_jumppad:
0x0: {  	(pc) =	sbr.rel $0x88, $3  }
0x1: {  	(tag) =	ssettag $0x0;
	lr =	simm.s32 $0x1  }
0x2: {  	[smem:$0x3F98] =	sst lr;
	_ =	strace $0xD0000000  }
0x3: {  	_ = 	snop  }
0x4: {  	_ = 	snop  }
0x5: {  	_ = 	snop  }
0x6: {  	_ = 	snop  }
0x7: {  	_ = 	snop  }
__scs_overlays_trampoline_lowered:
0x8: {  	[smem:$0x3FA7] =	sst s0  }
0x9: {  	[smem:$0x3FA8] =	sst s1  }
0xa: {  	[smem:$0x3FA9] =	sst s2  }
0xb: {  	[smem:$0x3FAA] =	sst s3  }
0xc: {  	[smem:$0x3FAB] =	sst s4  }
0xd: {  	[smem:$0x3FAC] =	sst s5  }
0xe: {  	[smem:$0x3FAD] =	sst s6  }
0xf: {  	[smem:$0x3FAE] =	sst s7  }
0x10: {  	[smem:$0x3FAF] =	sst s8  }
0x11: {  	[smem:$0x3FB0] =	sst s9;
	s0 =	simm.s32 @!p0 $0x0  }
0x12: {  	s1 =	sld [smem:$0x3F96];
	s0 =	simm.s32 @p0 $0x1  }
0x13: {  	[smem:$0x3FB1] =	sst s0;
	s0 =	simm.s32 @!p1 $0x0  }
0x14: {  	s2 =	sld [smem:$0x3F95];
	s0 =	simm.s32 @p1 $0x1  }
0x15: {  	[smem:$0x3FB2] =	sst s0;
	s0 =	simm.s32 @!p2 $0x0  }
0x16: {  	s3 =	sld [smem:$0x3FDB];
	s0 =	simm.s32 @p2 $0x1  }
0x17: {  	s4 =	simm.s32 $0x1BF5;
	[smem:$0x3FB4] =	sst s0  }
0x18: {  	s0 =	sld [smem:$0x3F97];
	_ =	swait.ge [sflag:s4], $0x0  }
0x19: {  	s7 =	sld [smem:$0x3F98]  }
0x1a: {  	s8 =	sadd.s32 $0xFFFFE003, lr  }
0x1b: {  	s9 =	sadd.s32 $0xFFFFFEF7, lr;
	s5 =	simm.s32 $0xFFFFFFFF;
	p2 =	slt.u32 s8, $0xFFFFF086  }
0x1c: {  	p1 =	slt.u32 s9, $0xF7A;
	s5 =	simm.s32 @!p2 $0x0  }
0x1d: {  	s5 =	simm.s32 @p1 $0x1;
	p0 =	seq.s32 s7, s2  }
0x1e: {  	s7 =	smul.u32 @!p0 $0xF7A, s2;
	p2 =	seq.s32 @!p0 s5, $0x0  }
0x1f: {  	s9 =	smul.u32 $0xF7A, s1;
	s8 =	simm.s32 @!p0 $0x1BF5;
	p2 =	por !p2, p0  }
0x20: {  	[sflag:s8] =	ssyncset.s32 @!p0 $0xFFFFF086;
	s6 =	sadd.s32 @!p0 s3, s7;
	s7 =	simm.s32 @!p0 $0x108  }
0x21: {  	s3 =	sadd.s32 s3, s9;
	s6 =	sadd.s32 @!p0 $0x88, s6;
	s7 =	simm.s32 @p2 $0x1082  }
0x22: {  	[simem:s7], [sflag:s8] =	dma.local @!p0 [hbm:s6], $0xF7A  }
0x23: {  	s9 =	sor.u32 $0xD0000000, s2;
	s6 =	simm.s32 $0x108;
	_ =	swait.ge @!p0 [sflag:s8], $0x0  }
0x24: {  	s3 =	sadd.s32 $0x88, s3;
	s6 =	simm.s32 @!p1 $0x1082;
	[sflag:s4] =	ssyncset.s32 $0xFFFFF086  }
0x25: {  	[simem:s6], [sflag:s4] =	dma.local [hbm:s3], $0xF7A  }
0x26: {  	[smem:$0x3F98] =	sst s1;
	(tag) =	ssettag s2;
	_ =	strace s9  }
0x27: {  	s1 =	sld [smem:$0x3FA8]  }
0x28: {  	s2 =	sld [smem:$0x3FA9]  }
0x29: {  	s4 =	sld [smem:$0x3FAB]  }
0x2a: {  	p0 =	seq.s32 s5, $0x0;
	s5 =	sld [smem:$0x3FAC]  }
0x2b: {  	s6 =	sld [smem:$0x3FAD]  }
0x2c: {  	s7 =	sld [smem:$0x3FAE]  }
0x2d: {  	s3 =	simm.s32 $0x108;
	s8 =	sld [smem:$0x3FAF]  }
0x2e: {  	s3 =	simm.s32 @!p0 $0x1082;
	s9 =	sld [smem:$0x3FB0]  }
0x2f: {  	lr =	sadd.s32 s0, s3;
	s0 =	sld [smem:$0x3FA7]  }
0x30: {  	s3 =	sld [smem:$0x3FAA]  }
0x31: {  	[smem:$0x3FB3] =	sst s10  }
0x32: {  	s10 =	sld [smem:$0x3FB1];
	_ =	sdelay $0x3  }
0x33: {  	p0 =	seq.s32 s10, $0x1;
	s10 =	sld [smem:$0x3FB3];
	_ =	sdelay $0x3  }
0x34: {  	[smem:$0x3FB3] =	sst s10  }
0x35: {  	s10 =	sld [smem:$0x3FB2];
	_ =	sdelay $0x3  }
0x36: {  	p1 =	seq.s32 s10, $0x1;
	s10 =	sld [smem:$0x3FB3];
	_ =	sdelay $0x3  }
0x37: {  	[smem:$0x3FB3] =	sst s10  }
0x38: {  	s10 =	sld [smem:$0x3FB4]  }
0x39: {  	_ = 	snop;
	(pc) =	sbr.ind lr, $3  }
0x3a: {  	_ = 	snop  }
0x3b: {  	_ = 	snop  }
0x3c: {  	p2 =	seq.s32 s10, $0x1;
	s10 =	sld [smem:$0x3FB3]  }
0x3d: {  	_ =	shalt  }
0x3e: {  	_ =	shalt  }
0x3f: {  	_ =	shalt  }
0x40: {  	_ =	shalt  }
0x41: {  	_ =	shalt  }
0x42: {  	_ =	shalt  }
0x43: {  	_ =	shalt  }
0x44: {  	_ =	shalt  }
0x45: {  	_ =	shalt  }
0x46: {  	_ =	shalt  }
0x47: {  	_ =	shalt  }
0x48: {  	_ =	shalt  }
0x49: {  	_ =	shalt  }
0x4a: {  	_ =	shalt  }
0x4b: {  	_ =	shalt  }
0x4c: {  	_ =	shalt  }
0x4d: {  	_ =	shalt  }
0x4e: {  	_ =	shalt  }
0x4f: {  	_ =	shalt  }
0x50: {  	_ =	shalt  }
0x51: {  	_ =	shalt  }
0x52: {  	_ =	shalt  }
0x53: {  	_ =	shalt  }
0x54: {  	_ =	shalt  }
0x55: {  	_ =	shalt  }
0x56: {  	_ =	shalt  }
0x57: {  	_ =	shalt  }
0x58: {  	_ =	shalt  }
0x59: {  	_ =	shalt  }
0x5a: {  	_ =	shalt  }
0x5b: {  	_ =	shalt  }
0x5c: {  	_ =	shalt  }
0x5d: {  	_ =	shalt  }
0x5e: {  	_ =	shalt  }
0x5f: {  	_ =	shalt  }
0x60: {  	_ =	shalt  }
0x61: {  	_ =	shalt  }
0x62: {  	_ =	shalt  }
0x63: {  	_ =	shalt  }
0x64: {  	_ =	shalt  }
0x65: {  	_ =	shalt  }
0x66: {  	_ =	shalt  }
0x67: {  	_ =	shalt  }
0x68: {  	_ =	shalt  }
0x69: {  	_ =	shalt  }
0x6a: {  	_ =	shalt  }
0x6b: {  	_ =	shalt  }
0x6c: {  	_ =	shalt  }
0x6d: {  	_ =	shalt  }
0x6e: {  	_ =	shalt  }
0x6f: {  	_ =	shalt  }
0x70: {  	_ =	shalt  }
0x71: {  	_ =	shalt  }
0x72: {  	_ =	shalt  }
0x73: {  	_ =	shalt  }
0x74: {  	_ =	shalt  }
0x75: {  	_ =	shalt  }
0x76: {  	_ =	shalt  }
0x77: {  	_ =	shalt  }
0x78: {  	_ =	shalt  }
0x79: {  	_ =	shalt  }
0x7a: {  	_ =	shalt  }
0x7b: {  	_ =	shalt  }
0x7c: {  	_ =	shalt  }
0x7d: {  	_ =	shalt  }
0x7e: {  	_ =	shalt  }
0x7f: {  	_ =	shalt  }
0x80: {  	_ =	shalt  }
0x81: {  	_ =	shalt  }
0x82: {  	_ =	shalt  }
0x83: {  	_ =	shalt  }
0x84: {  	_ =	shalt  }
0x85: {  	_ =	shalt  }
0x86: {  	_ =	shalt  }
0x87: {  	_ =	shalt  }
.Lfunc_end0:
.L_simem_size_0:
called_computation_lowered:
.L_overlay_start_0:
0x88: {  	s2 =	sld [smem:$0x3FD9]  }
0x89: {  	s3 =	sld [smem:$0x3FFE];
	_ =	sdelay $0x1  }
0x8a: {  	s1 =	srdreg.scid  }
0x8b: {  	s0 =	sand.u32 $0x1, s1  }
0x8c: {  	s17 =	sshll.u32 s0, $0xA;
	s2 =	sadd.s32 s3, s2  }
0x8d: {  	s2 =	sadd.s32 s2, s17  }
0x8e: {  	[smem:$0x3FBF] =	sst s2  }
0x8f: {  	_ = 	snop  }
0x90: {  	s2 =	sld [smem:$0x3FD0];
	(tm) =	ssettm $0x1  }
0x91: {  	s18 =	sld [smem:$0x3FFB];
	_ =	sdelay $0x3  }
0x92: {  	_ =	strace s18  }
0x93: {  	s3 =	sld [smem:$0x3FFC];
	_ =	sdelay $0x3  }
0x94: {  	_ =	strace s3  }
0x95: {  	s3 =	sld [smem:$0x3FFD];
	_ =	sdelay $0x3  }
0x96: {  	_ =	strace s3  }
0x97: {  	_ =	strace $0x8FFFFFFF  }
0x98: {  	s19 =	sld [smem:$0x3FDB];
	_ =	sdelay $0x1  }
0x99: {  	s4 =	simm.s32 $_scs_section_size  }
0x9a: {  	s5 =	simm.s32 $_size__tile_overlayer_lowered;
	s6 =	simm.s32 $_tile_overlayer_lowered  }
0x9b: {  	s22 =	simm.s32 $0x1BFF;
	s21 =	sshll.u32 s6, $0x1;
	s3 =	sadd.s32 s4, s19  }
0x9c: {  	s7 =	simm.s32 $0x0;
	s20 =	sshll.u32 s5, $0x1;
	s5 =	sadd.s32 s21, s3  }
0x9d: {  	[timem:s7], [sflag:s22] =	dma.local [hbm:s5], s20  }
0x9e: {  	_ =	swait.ge [sflag:s22], s20  }
0x9f: {  	s4 =	ssub.s32 $0x0, s20;
	[sflag:s22] =	ssyncset.done $0x0  }
0xa0: {  	[sflag:s22] =	ssyncadd.s32 s4;
	_ =	sdelay $0x1  }
0xa1: {  	s23 =	simm.s32 $0x1B8B  }
0xa2: {  	_ =	swait.ge [sflag:s23], $0x1  }
0xa3: {  	[sflag:s23] =	ssyncset.done $0x0  }
0xa4: {  	s25 =	simm.s32 $0x1B8E;
	s24 =	sld [smem:$0x3FFE];
	[sflag:s23] =	ssyncadd.s32 $0xFFFFFFFF  }
0xa5: {  	s26 =	simm.s32 $execute0_lowered;
	[smem:$0x3FD2] =	sst s25  }
0xa6: {  	s5 =	sshll.u32 s26, $0x1;
	_ =	strace $0x80000046;
	[dreg:$0x1] =	wrdreg $0xFFFFFFFF  }
0xa7: {  	s28 =	simm.s32 $_size_execute0_lowered;
	s3 =	sadd.s32 s3, s5;
	[dreg:$0x0] =	wrdreg $0x0  }
0xa8: {  	s5 =	sshll.u32 s28, $0x1;
	[dreg:$0x2] =	wrdreg s3  }
0xa9: {  	[dreg:$0x3] =	wrdreg s5  }
0xaa: {  	[dreg:$0x4] =	wrdreg $0xC0  }
0xab: {  	_ =	task [dreg:s7], $0x5FFFF  }
0xac: {  	[dreg:$0x1] =	wrdreg $0xFFFFFFFF  }
0xad: {  	[dreg:$0x0] =	wrdreg $0x60  }
0xae: {  	[dreg:$0x2] =	wrdreg s24  }
0xaf: {  	[dreg:$0x3] =	wrdreg s2  }
0xb0: {  	[dreg:$0x4] =	wrdreg $0x2A800  }
0xb1: {  	[dreg:$0x5] =	wrdreg $0x9  }
0xb2: {  	_ =	task.clear_ibuf [dreg:s7], $0x6FFFF;
	_ =	strace $0x90000046  }
0xb3: {  	s29 =	simm.s32 $0x9;
	_ =	strace $0x80000048  }
0xb4: {  	_ =	swait.ge [sflag:s29], $0x1  }
0xb5: {  	[sflag:s29] =	ssyncadd.s32 $0xFFFFFFFF  }
0xb6: {  	_ =	strace $0x90000048  }
0xb7: {  	_ =	sfence  }
0xb8: {  	s30 =	sld [smem:$0x0];
	_ =	sdelay $0x2  }
0xb9: {  	s31 =	sshll.u32 s1, $0xD;
	s1 =	sshrl.u32 s1, $0x2  }
0xba: {  	s3 =	sand.u32 $0x4000, s31;
	s1 =	sadd.s32 s1, s30  }
0xbb: {  	s0 =	sor.u32 s3, s0;
	s1 =	sshll.u32 s1, $0x11  }
0xbc: {  	s0 =	sor.u32 s1, s0  }
0xbd: {  	s0 =	sadd.s32 $0x8F2B, s0  }
0xbe: {  	[sflag:s0] =	ssyncadd.remote.s32 $0x1  }
0xbf: {  	_ =	sfence.sel $0xFFFF  }
0xc0: {  	[dreg:$0x0] =	wrdreg $0xFFFFFFFF;
	(pc) =	sbr.abs _section_cstart, $3  }
0xc1: {  	[dreg:$0x1] =	wrdreg $0xFFFFFFFF  }
0xc2: {  	_ =	task.clear_ibuf [dreg:s7], $0x2FFFF;
	_ =	strace $0x9FFFFFFF  }
0xc3: {  	(tm) =	ssettm $0x7FFFFFFF  }
tec
execute0_lowered:
.L_overlay_start_1:
0x0: {  	(tag) =	ssettag $0x1  }
0x1: {  	s4 =	rddreg [dreg:$0x0]  }
0x2: {  	s6 =	rddreg [dreg:$0x1];
	s0 =	srdreg.scid  }
0x3: {  	s2 =	rddreg [dreg:$0x2];
	s1 =	stileid.u32;
	s3 =	simm.s32 $0x0  }
0x4: {  	s11 =	simm.s32 $0x2780;
	s5 =	sand.u32 $0x1, s0;
	s0 =	rddreg [dreg:$0x3]  }
0x5: {  	s14 =	simm.s32 $0x0;
	s8 =	smul.u32 $0x280, s1;
	[smem:$0x7FF] =	sst s3  }
0x6: {  	s12 =	sshll.u32 s1, $0x6;
	s7 =	sshll.u32 s5, $0x4;
	s9 =	smul.u32 $0x2800, s5  }
0x7: {  	s5 =	ssub.s32 $0x2, s5;
	_ =	strace $0x80000047;
	s7 =	sor.u32 s1, s7  }
0x8: {  	s12 =	sor.u32 $0x1C01, s12;
	s10 =	sshrl.u32 s5, $0x1;
	s7 =	smul.u32 $0x4F0, s7  }
0x9: {  	s9 =	sadd.s32 s8, s9;
	s31 =	ssub.s32 s5, s10;
	s5 =	sadd.s32 s8, s2  }
0xa: {  	s8 =	simm.s32 $0x1;
	s10 =	simm.s32 $0x80;
	s9 =	sshrl.u32 s9, $0x3  }
0xb: {  	s13 =	sshrl.u32 s5, $0x3;
	s4 =	sadd.s32 s7, s4;
	s6 =	sadd.s32 s6, s9  }
0xc: {  	v0 =	vimm.f32 $1.000000000e+00;
	v1 =	vimm.f32 $0.0e+00;
	s7 =	smax.u32 s31, $0x1;
	s9 =	simm.s32 $0x2800;
	s4 =	sadd.s32 $0xC400, s4  }
.LBB2_1:
0xd: {  	[tilespmem:s3], [sflag:$0x1] =	stream.linear.gather [hbm4b:s4+s3], $0x2780, $0x38;
	[tilespmem:$0x2D00] =	vst v63  }
0xe: {  	_ =	swait.ge [sflag:s8], $0x2780  }
0xf: {  	[sflag:s8] =	ssyncset.done $0x0  }
0x10: {  	[sflag:s8] =	ssyncadd.s32 $0xFFFFD880  }
0x11: {  	[tilespmem:$0x2780] =	vst v0  }
0x12: {  	[tilespmem:$0x2790] =	vst v0  }
0x13: {  	[tilespmem:$0x27A0] =	vst v0  }
0x14: {  	[tilespmem:$0x27B0] =	vst v0  }
0x15: {  	[tilespmem:$0x27C0] =	vst v0  }
0x16: {  	[tilespmem:$0x27D0] =	vst v0  }
0x17: {  	[tilespmem:$0x27E0] =	vst v0  }
0x18: {  	[tilespmem:$0x27F0] =	vst v0  }
0x19: {  	[tilespmem:$0x2800] =	vst v1  }
0x1a: {  	[tilespmem:$0x2810] =	vst v1  }
0x1b: {  	[tilespmem:$0x2820] =	vst v1  }
0x1c: {  	[tilespmem:$0x2830] =	vst v1  }
0x1d: {  	[tilespmem:$0x2840] =	vst v1  }
0x1e: {  	[tilespmem:$0x2850] =	vst v1  }
0x1f: {  	[tilespmem:$0x2860] =	vst v1  }
0x20: {  	[tilespmem:$0x2870] =	vst v1  }
0x21: {  	[tilespmem:$0x2880] =	vst v1  }
0x22: {  	[tilespmem:$0x2890] =	vst v1  }
0x23: {  	[tilespmem:$0x28A0] =	vst v1  }
0x24: {  	[tilespmem:$0x28B0] =	vst v1  }
0x25: {  	[tilespmem:$0x28C0] =	vst v1  }
0x26: {  	[tilespmem:$0x28D0] =	vst v1  }
0x27: {  	[tilespmem:$0x28E0] =	vst v1  }
0x28: {  	[tilespmem:$0x28F0] =	vst v1  }
0x29: {  	[tilespmem:$0x2900] =	vst v1  }
0x2a: {  	[tilespmem:$0x2910] =	vst v1  }
0x2b: {  	[tilespmem:$0x2920] =	vst v1  }
0x2c: {  	[tilespmem:$0x2930] =	vst v1  }
0x2d: {  	[tilespmem:$0x2940] =	vst v1  }
0x2e: {  	[tilespmem:$0x2950] =	vst v1  }
0x2f: {  	[tilespmem:$0x2960] =	vst v1  }
0x30: {  	[tilespmem:$0x2970] =	vst v1  }
0x31: {  	[tilespmem:$0x2980] =	vst v1  }
0x32: {  	[tilespmem:$0x2990] =	vst v1  }
0x33: {  	[tilespmem:$0x29A0] =	vst v1  }
0x34: {  	[tilespmem:$0x29B0] =	vst v1  }
0x35: {  	[tilespmem:$0x29C0] =	vst v1  }
0x36: {  	[tilespmem:$0x29D0] =	vst v1  }
0x37: {  	[tilespmem:$0x29E0] =	vst v1  }
0x38: {  	[tilespmem:$0x29F0] =	vst v1  }
0x39: {  	[tilespmem:$0x2A00] =	vst v1  }
0x3a: {  	[tilespmem:$0x2A10] =	vst v1  }
0x3b: {  	[tilespmem:$0x2A20] =	vst v1  }
0x3c: {  	[tilespmem:$0x2A30] =	vst v1  }
0x3d: {  	[tilespmem:$0x2A40] =	vst v1  }
0x3e: {  	[tilespmem:$0x2A50] =	vst v1  }
0x3f: {  	[tilespmem:$0x2A60] =	vst v1  }
0x40: {  	[tilespmem:$0x2A70] =	vst v1  }
0x41: {  	[spmem:s5] =	stream.linear.scatter [tilespmem:s9], [sflag:$0x1], $0x280, $0x38;
	[tilespmem:$0x2D00] =	vst v63  }
0x42: {  	_ =	swait.ge [sflag:s8], $0x280  }
0x43: {  	[sflag:s8] =	ssyncset.done $0x0  }
0x44: {  	[sflag:s8] =	ssyncadd.s32 $0xFFFFFD80  }
0x45: {  	s15 =	simm.s32 $0x0;
	[bflag:$0x0] =	sbarrier.arrive $0xFFFF  }
0x46: {  	[spmem:s2] =	stream.indirect.scatter.add.f32 [tilespmem:s11], [sflag:$0x1], $0x1, s15, s10, $0xb8;
	[tilespmem:$0x2D00] =	vst v63  }
0x47: {  	_ =	swait.ge [sflag:s8], $0x80  }
0x48: {  	s15 =	simm.s32 $0x200;
	[sflag:s8] =	ssyncset.done $0x0  }
.LBB2_2:
0x49: {  	s16 =	sshra.s32 s15, $0x2;
	[sflag:s8] =	ssyncadd.s32 $0xFFFFFF80;
	p0 =	sne.s32 s15, $0x9C00  }
0x4a: {  	[spmem:s2] =	stream.indirect.scatter.add.f32 [tilespmem:s11], [sflag:$0x1], $0x1, s16, s10, $0xb8;
	[tilespmem:$0x2D00] =	vst v63  }
.Ltmp0:
0x4b: {  	_ = 	snop;
	(pc) =	sbr.rel @p0 .LBB2_2-.Ltmp0, $4  }
0x4c: {  	_ = 	snop  }
0x4d: {  	s15 =	sadd.s32 $0x200, s15  }
0x4e: {  	_ =	swait.ge [sflag:s8], $0x80  }
0x4f: {  	[sflag:s8] =	ssyncset.done $0x0  }
0x50: {  	s14 =	sadd.s32 $0x1, s14  }
0x51: {  	[sflag:s8] =	ssyncadd.s32 $0xFFFFFF80;
	p0 =	sne.s32 s14, s7  }
.Ltmp1:
0x52: {  	[bflag:$0x0] =	sbarrier.arrive $0xFFFF;
	(pc) =	sbr.rel @p0 .LBB2_1-.Ltmp1, $4  }
0x53: {  	[hbm:s6], [sflag:s12] =	dma.local [spmem:s13], $0x50  }
0x54: {  	_ =	swait.ge [sflag:s8], $0x50  }
0x55: {  	[sflag:s8] =	ssyncset.done $0x0  }
0x56: {  	[sflag:s8] =	ssyncadd.s32 $0xFFFFFFB0  }
0x57: {  	_ =	sfence.sel $0x180000  }
0x58: {  	[bflag:$0x0] =	sbarrier.arrive $0xFFFF  }
0x59: {  	p0 =	sne.s32 s1, $0x0;
	_ =	strace $0x90000047  }
0x5a: {  	s0 =	sadd.s32 @!p0 $0x100000, s0;
	[bflag:$0x2] =	sbarrier.arrive $0xFFFF  }
0x5b: {  	[sflag:s0] =	ssyncadd.tile.s32 @!p0 $0x1;
	_ =	shalt  }
.Lfunc_end2:
_tile_overlayer_lowered:
.L_overlay_start_2:
0x5c: {  	(tag) =	ssettag $0x2  }
0x5d: {  	s0 =	rddreg [dreg:$0x0];
	s2 =	stileid.u32  }
0x5e: {  	s1 =	rddreg [dreg:$0x1];
	p0 =	sne.s32 s2, $0x0  }
0x5f: {  	s3 =	rddreg [dreg:$0x2];
	[bflag:$0x3] =	sbarrier.arrive $0xFFFF;
	s2 =	simm.s32 @!p0 $0x1C01  }
0x60: {  	[timem:s3], [sflag:s2] =	dma.local @!p0 [hbm:s0], s1  }
0x61: {  	s0 =	simm.s32 @!p0 $0x1  }
0x62: {  	_ =	swait.ge @!p0 [sflag:s0], s1  }
0x63: {  	s1 =	ssub.s32 @!p0 $0x0, s1;
	[sflag:s0] =	ssyncset.done @!p0 $0x0  }
0x64: {  	[sflag:s0] =	ssyncadd.s32 @!p0 s1  }
0x65: {  	[bflag:$0x3] =	sbarrier.arrive $0xFFFF  }
0x66: {  	_ =	shalt  }

</sc_bundles>
